<compile_context>
chip_gen: v7x
topology: tpu7x:2x2x1
jax: 0.10.2.dev20260603
libtpu: 0.0.44.dev20260713+nightly
codegen_flags: <defaults>
</compile_context>

<pallas_src>
import jax
import jax.numpy as jnp
from jax.experimental import pallas as pl
from jax.experimental.pallas import tpu as pltpu
from jax.experimental.pallas import tpu_sc as plsc

_B, _L, _J, _D = 4, 2048, 8, 256
_DX, _TED = 6, 6
_NS = _DX * (_TED - 1)

_NW = 32
_ROWS = _B * _J * _L
_RPW = _ROWS // _NW
_K = 128
_NDMA = _RPW // _K


def _vt_kernel(x_ref, y_ref, a_ref, ss_ref, bs_ref, w1s_ref, w0_ref,
               vtb_ref, local_ref, d01_ref, out_vt_ref, base_ref):
    j = pl.program_id(1)

    @pl.when(j == 0)
    def _():
        xb = jnp.nan_to_num(x_ref[0])
        lin = jax.lax.dot(xb, a_ref[...], precision=jax.lax.Precision.HIGHEST,
                          preferred_element_type=jnp.float32)
        xs = jax.lax.dot(xb, ss_ref[...], precision=jax.lax.Precision.HIGHEST,
                         preferred_element_type=jnp.float32) + bs_ref[...]
        sin_part = jax.lax.dot(jnp.sin(xs), w1s_ref[...],
                               precision=jax.lax.Precision.HIGHEST,
                               preferred_element_type=jnp.float32)
        base_ref[...] = local_ref[...] + lin + sin_part + vtb_ref[...]

    ycol = y_ref[0]
    nanf = jnp.isnan(ycol).astype(jnp.float32)
    yc = jnp.where(nanf > 0, jnp.float32(0), ycol)
    out_vt_ref[0] = base_ref[...] + yc * w0_ref[...] + nanf * d01_ref[...]


def _space_kernel(space_hbm, out_hbm, row_v, buf_v, sem):
    c = jax.lax.axis_index("c")
    s = jax.lax.axis_index("s")
    wid = s * 2 + c
    j = wid % _J
    pltpu.sync_copy(space_hbm.at[pl.ds(j, 1)], row_v)
    vs = [row_v[0, pl.ds(i * 16, 16)] for i in range(_D // 16)]

    def rep(k, carry):
        for i in range(_D // 16):
            buf_v[k, pl.ds(i * 16, 16)] = vs[i]
        return carry

    jax.lax.fori_loop(0, _K, rep, 0)
    base = wid * _RPW
    copies = [
        pltpu.async_copy(buf_v, out_hbm.at[pl.ds(base + i * _K, _K)], sem)
        for i in range(_NDMA)
    ]
    for cp in copies:
        cp.wait()


def kernel(y, x, t2v_w, t2v_b, local_table, vt_W, vt_b, given_table, space_table):
    w1 = vt_W[1:]
    a_mat = t2v_w[:, 0:1] * w1[0::_TED]
    c_lin = t2v_b[:, 0] @ w1[0::_TED]
    ss = (jnp.eye(_DX, dtype=jnp.float32)[:, :, None]
          * t2v_w[:, None, 1:]).reshape(_DX, _NS)
    bs = t2v_b[:, 1:].reshape(1, _NS)
    sin_rows = (jnp.arange(_DX * _TED).reshape(_DX, _TED)[:, 1:]).reshape(-1)
    w1s = w1[sin_rows]
    w0 = vt_W[0:1]
    vtb2 = (vt_b + c_lin + given_table[1]).reshape(1, _D)
    d01 = (given_table[0] - given_table[1]).reshape(1, _D)
    y_t = jnp.transpose(y, (0, 2, 1)).reshape(_B * _J, _L, 1)

    sc_call = pl.kernel(
        _space_kernel,
        out_type=jax.ShapeDtypeStruct((_ROWS, _D), jnp.float32),
        mesh=plsc.VectorSubcoreMesh(core_axis_name="c", subcore_axis_name="s"),
        scratch_types=[
            pltpu.VMEM((1, _D), jnp.float32),
            pltpu.VMEM((_K, _D), jnp.float32),
            pltpu.SemaphoreType.DMA,
        ],
    )
    out_sp = sc_call(space_table).reshape(_B, _J * _L, _D)

    grid = (_B, _J)
    out_vt = pl.pallas_call(
        _vt_kernel,
        grid=grid,
        in_specs=[
            pl.BlockSpec((1, _L, _DX), lambda b, j: (b, 0, 0)),
            pl.BlockSpec((1, _L, 1), lambda b, j: (b * _J + j, 0, 0)),
            pl.BlockSpec((_DX, _D), lambda b, j: (0, 0)),
            pl.BlockSpec((_DX, _NS), lambda b, j: (0, 0)),
            pl.BlockSpec((1, _NS), lambda b, j: (0, 0)),
            pl.BlockSpec((_NS, _D), lambda b, j: (0, 0)),
            pl.BlockSpec((1, _D), lambda b, j: (0, 0)),
            pl.BlockSpec((1, _D), lambda b, j: (0, 0)),
            pl.BlockSpec((_L, _D), lambda b, j: (0, 0)),
            pl.BlockSpec((1, _D), lambda b, j: (0, 0)),
        ],
        out_specs=pl.BlockSpec((1, _L, _D), lambda b, j: (b, j, 0)),
        out_shape=jax.ShapeDtypeStruct((_B, _J * _L, _D), jnp.float32),
        scratch_shapes=[pltpu.VMEM((_L, _D), jnp.float32)],
        compiler_params=pltpu.CompilerParams(
            dimension_semantics=("parallel", "arbitrary")),
    )(x, y_t, a_mat, ss, bs, w1s, w0, vtb2, local_table[:_L], d01)

    var_idx = jnp.broadcast_to(
        jnp.repeat(jnp.arange(_J, dtype=jnp.int32), _L)[None, :],
        (_B, _J * _L))
    return (out_vt, out_sp, var_idx)

# --- scband reference (transcript-rebuilt; emitter-appended) ---
"""Pipeline reference for scband-spacetimeformer-embedding-with-categoricals-9457517986511 (READ-ONLY COPY).

The authoritative reference and input builder live on the scoring server;
editing this copy changes nothing except your own understanding.
"""

import jax, jax.numpy as jnp
import numpy as np

BS = 4
LENGTH = 2048
D_Y = 8
D_X = 6
D_MODEL = 256
TIME_EMB_DIM = 6
MAX_SEQ_LEN = 4096
TIME_DIM = TIME_EMB_DIM * D_X


def setup_inputs(seed: int = 0) -> dict:
    key = jax.random.key(seed)
    ks = jax.random.split(key, 9)
    y = jax.random.normal(ks[0], (BS, LENGTH, D_Y), dtype=jnp.float32)
    x = jax.random.uniform(ks[1], (BS, LENGTH, D_X), dtype=jnp.float32)
    # Time2Vec(d_x, embed_dim=time_emb_dim*d_x) params: per-input-dim affine
    t2v_w = jax.random.normal(ks[2], (D_X, TIME_EMB_DIM), dtype=jnp.float32)
    t2v_b = jax.random.normal(ks[3], (D_X, TIME_EMB_DIM), dtype=jnp.float32)
    # abs position embedding table
    local_table = jax.random.normal(ks[4], (MAX_SEQ_LEN, D_MODEL), dtype=jnp.float32) * 0.02
    # val_time_emb Linear(1 + time_dim, d_model)
    vt_W = jax.random.normal(ks[5], (1 + TIME_DIM, D_MODEL), dtype=jnp.float32) * 0.05
    vt_b = jnp.zeros((D_MODEL,), dtype=jnp.float32)
    # given embedding (2, d_model)
    given_table = jax.random.normal(ks[6], (2, D_MODEL), dtype=jnp.float32) * 0.02
    # space embedding (d_y, d_model)
    space_table = jax.random.normal(ks[7], (D_Y, D_MODEL), dtype=jnp.float32) * 0.02
    return {"y": y, "x": x, "t2v_w": t2v_w, "t2v_b": t2v_b,
            "local_table": local_table, "vt_W": vt_W, "vt_b": vt_b,
            "given_table": given_table, "space_table": space_table}


def _time2vec(x, w, b):
    # equivalent to torch.diag_embed(x) @ w + b : per-dim affine then sin on all but 1st channel
    xa = x[..., :, None] * w[None, None, :, :] + b[None, None, :, :]  # (bs, L, d_x, time_emb_dim)
    first = xa[..., :1]
    rest = jnp.sin(xa[..., 1:])
    out = jnp.concatenate([first, rest], axis=-1)
    return out.reshape(out.shape[0], out.shape[1], -1)  # (bs, L, d_x*time_emb_dim)


def reference(y, x, t2v_w, t2v_b, local_table, vt_W, vt_b, given_table, space_table):
    bs, length, d_y = y.shape
    # local position: repeat(arange(length), 'length -> bs (d_y length)')
    local_pos = jnp.tile(jnp.arange(length), (d_y,))
    local_pos = jnp.broadcast_to(local_pos[None, :], (bs, d_y * length))
    local_emb = jnp.take(local_table, local_pos, axis=0)  # (bs, d_y*L, d_model)
    x = jnp.nan_to_num(x)
    # repeat x: 'batch len x_dim -> batch (d_y len) x_dim'
    x_rep = jnp.tile(x, (1, d_y, 1))
    time_emb = _time2vec(x_rep, t2v_w, t2v_b)  # (bs, d_y*L, time_dim)
    true_null = jnp.isnan(y)
    y = jnp.nan_to_num(y)
    # torch.cat(y.chunk(d_y, dim=-1), dim=1) -> (bs, d_y*L, 1)
    y_flat = jnp.concatenate([y[:, :, i:i + 1] for i in range(d_y)], axis=1)
    val_time_inp = jnp.concatenate([y_flat, time_emb], axis=-1)
    val_time_emb = val_time_inp @ vt_W + vt_b
    # given flags: encoder path -> all ones, masked by nans
    given = jnp.ones((bs, length, d_y), dtype=jnp.int32)
    given = given * (~true_null).astype(jnp.int32)
    given_flat = jnp.concatenate([given[:, :, i:i + 1] for i in range(d_y)], axis=1)[..., 0]
    given_emb = jnp.take(given_table, given_flat, axis=0)
    val_time_emb = local_emb + val_time_emb + given_emb
    # var_idx: repeat(arange(d_y), 'dy -> bs (dy length)')
    var_idx = jnp.broadcast_to(jnp.repeat(jnp.arange(d_y), length)[None, :], (bs, d_y * length))
    space_emb = jnp.take(space_table, var_idx, axis=0)
    return (val_time_emb, space_emb, var_idx)

if __name__ == "__main__":
    import jax
    _d = setup_inputs()
    print(jax.jit(kernel)(*tuple(_d.values())))

</pallas_src>

<mosaic_0001>
#map = affine_map<(d0, d1) -> (0, 0)>
module attributes {stable_mosaic.version = 14 : i64} {
  func.func @_space_kernel(%arg0: i32, %arg1: i32, %arg2: memref<8x256xf32, #tpu.memory_space<hbm>>, %arg3: memref<65536x256xf32, #tpu.memory_space<hbm>>, %arg4: memref<1x256xf32, #tpu.memory_space<vmem>>, %arg5: memref<128x256xf32, #tpu.memory_space<vmem>>, %arg6: memref<!tpu.dma_semaphore, #tpu.memory_space<semaphore_mem>>) attributes {dimension_semantics = [#tpu.dimension_semantics<core_parallel>, #tpu.dimension_semantics<subcore_parallel>], iteration_bounds = array<i64: 2, 16>, scalar_prefetch = 0 : i64, scratch_operands = 3 : i64, tpu.core_type = #tpu.core_type<sc_vector_subcore>, window_params = [{transform_indices = #map}, {transform_indices = #map}]} {
    %mul3A = arith.constant 2 : i32
    %mul3A_0 = arith.muli %arg1, %mul3A : i32
    %add3A = arith.addi %mul3A_0, %arg0 : i32
    %jit3A = arith.constant 8 : i32
    %eq3A = arith.constant 0 : i32
    %eq3A_1 = arith.cmpi eq, %jit3A, %eq3A : i32
    %jit3A_2 = arith.constant 1 : i32
    %select_n3A = arith.select %eq3A_1, %jit3A_2, %jit3A : i32
    %rem3A = arith.remsi %add3A, %select_n3A : i32
    %ne3A = arith.constant 0 : i32
    %ne3A_3 = arith.cmpi ne, %rem3A, %ne3A : i32
    %lt3A = arith.constant 0 : i32
    %lt3A_4 = arith.cmpi slt, %rem3A, %lt3A : i32
    %lt3A_5 = arith.constant 0 : i32
    %lt3A_6 = arith.cmpi slt, %select_n3A, %lt3A_5 : i32
    %ne3A_7 = arith.xori %lt3A_4, %lt3A_6 : i1
    %and3A = arith.andi %ne3A_7, %ne3A_3 : i1
    %add3A_8 = arith.addi %rem3A, %select_n3A : i32
    %select_n3A_9 = arith.select %and3A, %add3A_8, %rem3A : i32
    "tpu.region"() ({
      %run_scoped3A = tpu.sem_alloc : memref<!tpu.dma_semaphore, #tpu.memory_space<semaphore_mem>>
      %dma_start3A_254 = arith.constant 0 : i32
      %dma_start3A_255 = tpu.memref_slice %arg2[%select_n3A_9, %dma_start3A_254] : memref<8x256xf32, #tpu.memory_space<hbm>> -> memref<1x256xf32, #tpu.memory_space<hbm>>
      %dma_start3A_256 = arith.constant 0 : i32
      %dma_start3A_257 = tpu.memref_slice %arg2[%select_n3A_9, %dma_start3A_256] : memref<8x256xf32, #tpu.memory_space<hbm>> -> memref<1x256xf32, #tpu.memory_space<hbm>>
      tpu.enqueue_dma source(%dma_start3A_257 : memref<1x256xf32, #tpu.memory_space<hbm>>) target(%arg4 : memref<1x256xf32, #tpu.memory_space<vmem>>) target_semaphore(%run_scoped3A : memref<!tpu.dma_semaphore, #tpu.memory_space<semaphore_mem>>)
      %dma_wait3A_258 = arith.constant 0 : i32
      %dma_wait3A_259 = tpu.memref_slice %arg2[%select_n3A_9, %dma_wait3A_258] : memref<8x256xf32, #tpu.memory_space<hbm>> -> memref<1x256xf32, #tpu.memory_space<hbm>>
      %dma_wait3A_260 = arith.constant 0 : i32
      %dma_wait3A_261 = tpu.memref_slice %arg2[%select_n3A_9, %dma_wait3A_260] : memref<8x256xf32, #tpu.memory_space<hbm>> -> memref<1x256xf32, #tpu.memory_space<hbm>>
      tpu.wait_dma2 semaphore(%run_scoped3A : memref<!tpu.dma_semaphore, #tpu.memory_space<semaphore_mem>>) src(%dma_wait3A_261 : memref<1x256xf32, #tpu.memory_space<hbm>>) dst(%arg4 : memref<1x256xf32, #tpu.memory_space<vmem>>)
      tpu.yield
    }) : () -> ()
    %get3A = arith.constant 0 : i32
    %get3A_10 = arith.index_cast %get3A : i32 to index
    %get3A_11 = arith.constant 0 : index
    %get3A_12 = tpu.vector_load %arg4[%get3A_10, %get3A_11] {strides = array<i32>} : memref<1x256xf32, #tpu.memory_space<vmem>>, vector<1x16xf32>,
    %get3A_13 = vector.shape_cast %get3A_12 : vector<1x16xf32> to vector<16xf32>
    %get3A_14 = arith.constant 0 : i32
    %get3A_15 = arith.index_cast %get3A_14 : i32 to index
    %get3A_16 = arith.constant 16 : index
    %get3A_17 = tpu.vector_load %arg4[%get3A_15, %get3A_16] {strides = array<i32>} : memref<1x256xf32, #tpu.memory_space<vmem>>, vector<1x16xf32>,
    %get3A_18 = vector.shape_cast %get3A_17 : vector<1x16xf32> to vector<16xf32>
    %get3A_19 = arith.constant 0 : i32
    %get3A_20 = arith.index_cast %get3A_19 : i32 to index
    %get3A_21 = arith.constant 32 : index
    %get3A_22 = tpu.vector_load %arg4[%get3A_20, %get3A_21] {strides = array<i32>} : memref<1x256xf32, #tpu.memory_space<vmem>>, vector<1x16xf32>,
    %get3A_23 = vector.shape_cast %get3A_22 : vector<1x16xf32> to vector<16xf32>
    %get3A_24 = arith.constant 0 : i32
    %get3A_25 = arith.index_cast %get3A_24 : i32 to index
    %get3A_26 = arith.constant 48 : index
    %get3A_27 = tpu.vector_load %arg4[%get3A_25, %get3A_26] {strides = array<i32>} : memref<1x256xf32, #tpu.memory_space<vmem>>, vector<1x16xf32>,
    %get3A_28 = vector.shape_cast %get3A_27 : vector<1x16xf32> to vector<16xf32>
    %get3A_29 = arith.constant 0 : i32
    %get3A_30 = arith.index_cast %get3A_29 : i32 to index
    %get3A_31 = arith.constant 64 : index
    %get3A_32 = tpu.vector_load %arg4[%get3A_30, %get3A_31] {strides = array<i32>} : memref<1x256xf32, #tpu.memory_space<vmem>>, vector<1x16xf32>,
    %get3A_33 = vector.shape_cast %get3A_32 : vector<1x16xf32> to vector<16xf32>
    %get3A_34 = arith.constant 0 : i32
    %get3A_35 = arith.index_cast %get3A_34 : i32 to index
    %get3A_36 = arith.constant 80 : index
    %get3A_37 = tpu.vector_load %arg4[%get3A_35, %get3A_36] {strides = array<i32>} : memref<1x256xf32, #tpu.memory_space<vmem>>, vector<1x16xf32>,
    %get3A_38 = vector.shape_cast %get3A_37 : vector<1x16xf32> to vector<16xf32>
    %get3A_39 = arith.constant 0 : i32
    %get3A_40 = arith.index_cast %get3A_39 : i32 to index
    %get3A_41 = arith.constant 96 : index
    %get3A_42 = tpu.vector_load %arg4[%get3A_40, %get3A_41] {strides = array<i32>} : memref<1x256xf32, #tpu.memory_space<vmem>>, vector<1x16xf32>,
    %get3A_43 = vector.shape_cast %get3A_42 : vector<1x16xf32> to vector<16xf32>
    %get3A_44 = arith.constant 0 : i32
    %get3A_45 = arith.index_cast %get3A_44 : i32 to index
    %get3A_46 = arith.constant 112 : index
    %get3A_47 = tpu.vector_load %arg4[%get3A_45, %get3A_46] {strides = array<i32>} : memref<1x256xf32, #tpu.memory_space<vmem>>, vector<1x16xf32>,
    %get3A_48 = vector.shape_cast %get3A_47 : vector<1x16xf32> to vector<16xf32>
    %get3A_49 = arith.constant 0 : i32
    %get3A_50 = arith.index_cast %get3A_49 : i32 to index
    %get3A_51 = arith.constant 128 : index
    %get3A_52 = tpu.vector_load %arg4[%get3A_50, %get3A_51] {strides = array<i32>} : memref<1x256xf32, #tpu.memory_space<vmem>>, vector<1x16xf32>,
    %get3A_53 = vector.shape_cast %get3A_52 : vector<1x16xf32> to vector<16xf32>
    %get3A_54 = arith.constant 0 : i32
    %get3A_55 = arith.index_cast %get3A_54 : i32 to index
    %get3A_56 = arith.constant 144 : index
    %get3A_57 = tpu.vector_load %arg4[%get3A_55, %get3A_56] {strides = array<i32>} : memref<1x256xf32, #tpu.memory_space<vmem>>, vector<1x16xf32>,
    %get3A_58 = vector.shape_cast %get3A_57 : vector<1x16xf32> to vector<16xf32>
    %get3A_59 = arith.constant 0 : i32
    %get3A_60 = arith.index_cast %get3A_59 : i32 to index
    %get3A_61 = arith.constant 160 : index
    %get3A_62 = tpu.vector_load %arg4[%get3A_60, %get3A_61] {strides = array<i32>} : memref<1x256xf32, #tpu.memory_space<vmem>>, vector<1x16xf32>,
    %get3A_63 = vector.shape_cast %get3A_62 : vector<1x16xf32> to vector<16xf32>
    %get3A_64 = arith.constant 0 : i32
    %get3A_65 = arith.index_cast %get3A_64 : i32 to index
    %get3A_66 = arith.constant 176 : index
    %get3A_67 = tpu.vector_load %arg4[%get3A_65, %get3A_66] {strides = array<i32>} : memref<1x256xf32, #tpu.memory_space<vmem>>, vector<1x16xf32>,
    %get3A_68 = vector.shape_cast %get3A_67 : vector<1x16xf32> to vector<16xf32>
    %get3A_69 = arith.constant 0 : i32
    %get3A_70 = arith.index_cast %get3A_69 : i32 to index
    %get3A_71 = arith.constant 192 : index
    %get3A_72 = tpu.vector_load %arg4[%get3A_70, %get3A_71] {strides = array<i32>} : memref<1x256xf32, #tpu.memory_space<vmem>>, vector<1x16xf32>,
    %get3A_73 = vector.shape_cast %get3A_72 : vector<1x16xf32> to vector<16xf32>
    %get3A_74 = arith.constant 0 : i32
    %get3A_75 = arith.index_cast %get3A_74 : i32 to index
    %get3A_76 = arith.constant 208 : index
    %get3A_77 = tpu.vector_load %arg4[%get3A_75, %get3A_76] {strides = array<i32>} : memref<1x256xf32, #tpu.memory_space<vmem>>, vector<1x16xf32>,
    %get3A_78 = vector.shape_cast %get3A_77 : vector<1x16xf32> to vector<16xf32>
    %get3A_79 = arith.constant 0 : i32
    %get3A_80 = arith.index_cast %get3A_79 : i32 to index
    %get3A_81 = arith.constant 224 : index
    %get3A_82 = tpu.vector_load %arg4[%get3A_80, %get3A_81] {strides = array<i32>} : memref<1x256xf32, #tpu.memory_space<vmem>>, vector<1x16xf32>,
    %get3A_83 = vector.shape_cast %get3A_82 : vector<1x16xf32> to vector<16xf32>
    %get3A_84 = arith.constant 0 : i32
    %get3A_85 = arith.index_cast %get3A_84 : i32 to index
    %get3A_86 = arith.constant 240 : index
    %get3A_87 = tpu.vector_load %arg4[%get3A_85, %get3A_86] {strides = array<i32>} : memref<1x256xf32, #tpu.memory_space<vmem>>, vector<1x16xf32>,
    %get3A_88 = vector.shape_cast %get3A_87 : vector<1x16xf32> to vector<16xf32>
    %scan3A = arith.constant 0 : i32
    %scan3A_89 = arith.constant 0 : i32
    %scan3A_90 = arith.constant 128 : i32
    %scan3A_91 = arith.addi %scan3A_89, %scan3A_90 : i32
    %scan3A_92 = arith.constant 1 : i32
    scf.for %scan3A_254 = %scan3A_89 to %scan3A_91 step %scan3A_92  : i32 {
      %swap3A = arith.index_cast %scan3A_254 : i32 to index
      %swap3A_255 = arith.constant 0 : index
      %swap3A_256 = tpu.vector_load %arg5[%swap3A, %swap3A_255] {strides = array<i32>} : memref<128x256xf32, #tpu.memory_space<vmem>>, vector<1x16xf32>,
      %swap3A_257 = vector.shape_cast %swap3A_256 : vector<1x16xf32> to vector<16xf32>
      %swap3A_258 = vector.shape_cast %get3A_13 : vector<16xf32> to vector<1x16xf32>
      tpu.vector_store %arg5[%swap3A, %swap3A_255], %swap3A_258 {strides = array<i32>} : memref<128x256xf32, #tpu.memory_space<vmem>>, vector<1x16xf32>,
      %swap3A_259 = arith.index_cast %scan3A_254 : i32 to index
      %swap3A_260 = arith.constant 16 : index
      %swap3A_261 = tpu.vector_load %arg5[%swap3A_259, %swap3A_260] {strides = array<i32>} : memref<128x256xf32, #tpu.memory_space<vmem>>, vector<1x16xf32>,
      %swap3A_262 = vector.shape_cast %swap3A_261 : vector<1x16xf32> to vector<16xf32>
      %swap3A_263 = vector.shape_cast %get3A_18 : vector<16xf32> to vector<1x16xf32>
      tpu.vector_store %arg5[%swap3A_259, %swap3A_260], %swap3A_263 {strides = array<i32>} : memref<128x256xf32, #tpu.memory_space<vmem>>, vector<1x16xf32>,
      %swap3A_264 = arith.index_cast %scan3A_254 : i32 to index
      %swap3A_265 = arith.constant 32 : index
      %swap3A_266 = tpu.vector_load %arg5[%swap3A_264, %swap3A_265] {strides = array<i32>} : memref<128x256xf32, #tpu.memory_space<vmem>>, vector<1x16xf32>,
      %swap3A_267 = vector.shape_cast %swap3A_266 : vector<1x16xf32> to vector<16xf32>
      %swap3A_268 = vector.shape_cast %get3A_23 : vector<16xf32> to vector<1x16xf32>
      tpu.vector_store %arg5[%swap3A_264, %swap3A_265], %swap3A_268 {strides = array<i32>} : memref<128x256xf32, #tpu.memory_space<vmem>>, vector<1x16xf32>,
      %swap3A_269 = arith.index_cast %scan3A_254 : i32 to index
      %swap3A_270 = arith.constant 48 : index
      %swap3A_271 = tpu.vector_load %arg5[%swap3A_269, %swap3A_270] {strides = array<i32>} : memref<128x256xf32, #tpu.memory_space<vmem>>, vector<1x16xf32>,
      %swap3A_272 = vector.shape_cast %swap3A_271 : vector<1x16xf32> to vector<16xf32>
      %swap3A_273 = vector.shape_cast %get3A_28 : vector<16xf32> to vector<1x16xf32>
      tpu.vector_store %arg5[%swap3A_269, %swap3A_270], %swap3A_273 {strides = array<i32>} : memref<128x256xf32, #tpu.memory_space<vmem>>, vector<1x16xf32>,
      %swap3A_274 = arith.index_cast %scan3A_254 : i32 to index
      %swap3A_275 = arith.constant 64 : index
      %swap3A_276 = tpu.vector_load %arg5[%swap3A_274, %swap3A_275] {strides = array<i32>} : memref<128x256xf32, #tpu.memory_space<vmem>>, vector<1x16xf32>,
      %swap3A_277 = vector.shape_cast %swap3A_276 : vector<1x16xf32> to vector<16xf32>
      %swap3A_278 = vector.shape_cast %get3A_33 : vector<16xf32> to vector<1x16xf32>
      tpu.vector_store %arg5[%swap3A_274, %swap3A_275], %swap3A_278 {strides = array<i32>} : memref<128x256xf32, #tpu.memory_space<vmem>>, vector<1x16xf32>,
      %swap3A_279 = arith.index_cast %scan3A_254 : i32 to index
      %swap3A_280 = arith.constant 80 : index
      %swap3A_281 = tpu.vector_load %arg5[%swap3A_279, %swap3A_280] {strides = array<i32>} : memref<128x256xf32, #tpu.memory_space<vmem>>, vector<1x16xf32>,
      %swap3A_282 = vector.shape_cast %swap3A_281 : vector<1x16xf32> to vector<16xf32>
      %swap3A_283 = vector.shape_cast %get3A_38 : vector<16xf32> to vector<1x16xf32>
      tpu.vector_store %arg5[%swap3A_279, %swap3A_280], %swap3A_283 {strides = array<i32>} : memref<128x256xf32, #tpu.memory_space<vmem>>, vector<1x16xf32>,
      %swap3A_284 = arith.index_cast %scan3A_254 : i32 to index
      %swap3A_285 = arith.constant 96 : index
      %swap3A_286 = tpu.vector_load %arg5[%swap3A_284, %swap3A_285] {strides = array<i32>} : memref<128x256xf32, #tpu.memory_space<vmem>>, vector<1x16xf32>,
      %swap3A_287 = vector.shape_cast %swap3A_286 : vector<1x16xf32> to vector<16xf32>
      %swap3A_288 = vector.shape_cast %get3A_43 : vector<16xf32> to vector<1x16xf32>
      tpu.vector_store %arg5[%swap3A_284, %swap3A_285], %swap3A_288 {strides = array<i32>} : memref<128x256xf32, #tpu.memory_space<vmem>>, vector<1x16xf32>,
      %swap3A_289 = arith.index_cast %scan3A_254 : i32 to index
      %swap3A_290 = arith.constant 112 : index
      %swap3A_291 = tpu.vector_load %arg5[%swap3A_289, %swap3A_290] {strides = array<i32>} : memref<128x256xf32, #tpu.memory_space<vmem>>, vector<1x16xf32>,
      %swap3A_292 = vector.shape_cast %swap3A_291 : vector<1x16xf32> to vector<16xf32>
      %swap3A_293 = vector.shape_cast %get3A_48 : vector<16xf32> to vector<1x16xf32>
      tpu.vector_store %arg5[%swap3A_289, %swap3A_290], %swap3A_293 {strides = array<i32>} : memref<128x256xf32, #tpu.memory_space<vmem>>, vector<1x16xf32>,
      %swap3A_294 = arith.index_cast %scan3A_254 : i32 to index
      %swap3A_295 = arith.constant 128 : index
      %swap3A_296 = tpu.vector_load %arg5[%swap3A_294, %swap3A_295] {strides = array<i32>} : memref<128x256xf32, #tpu.memory_space<vmem>>, vector<1x16xf32>,
      %swap3A_297 = vector.shape_cast %swap3A_296 : vector<1x16xf32> to vector<16xf32>
      %swap3A_298 = vector.shape_cast %get3A_53 : vector<16xf32> to vector<1x16xf32>
      tpu.vector_store %arg5[%swap3A_294, %swap3A_295], %swap3A_298 {strides = array<i32>} : memref<128x256xf32, #tpu.memory_space<vmem>>, vector<1x16xf32>,
      %swap3A_299 = arith.index_cast %scan3A_254 : i32 to index
      %swap3A_300 = arith.constant 144 : index
      %swap3A_301 = tpu.vector_load %arg5[%swap3A_299, %swap3A_300] {strides = array<i32>} : memref<128x256xf32, #tpu.memory_space<vmem>>, vector<1x16xf32>,
      %swap3A_302 = vector.shape_cast %swap3A_301 : vector<1x16xf32> to vector<16xf32>
      %swap3A_303 = vector.shape_cast %get3A_58 : vector<16xf32> to vector<1x16xf32>
      tpu.vector_store %arg5[%swap3A_299, %swap3A_300], %swap3A_303 {strides = array<i32>} : memref<128x256xf32, #tpu.memory_space<vmem>>, vector<1x16xf32>,
      %swap3A_304 = arith.index_cast %scan3A_254 : i32 to index
      %swap3A_305 = arith.constant 160 : index
      %swap3A_306 = tpu.vector_load %arg5[%swap3A_304, %swap3A_305] {strides = array<i32>} : memref<128x256xf32, #tpu.memory_space<vmem>>, vector<1x16xf32>,
      %swap3A_307 = vector.shape_cast %swap3A_306 : vector<1x16xf32> to vector<16xf32>
      %swap3A_308 = vector.shape_cast %get3A_63 : vector<16xf32> to vector<1x16xf32>
      tpu.vector_store %arg5[%swap3A_304, %swap3A_305], %swap3A_308 {strides = array<i32>} : memref<128x256xf32, #tpu.memory_space<vmem>>, vector<1x16xf32>,
      %swap3A_309 = arith.index_cast %scan3A_254 : i32 to index
      %swap3A_310 = arith.constant 176 : index
      %swap3A_311 = tpu.vector_load %arg5[%swap3A_309, %swap3A_310] {strides = array<i32>} : memref<128x256xf32, #tpu.memory_space<vmem>>, vector<1x16xf32>,
      %swap3A_312 = vector.shape_cast %swap3A_311 : vector<1x16xf32> to vector<16xf32>
      %swap3A_313 = vector.shape_cast %get3A_68 : vector<16xf32> to vector<1x16xf32>
      tpu.vector_store %arg5[%swap3A_309, %swap3A_310], %swap3A_313 {strides = array<i32>} : memref<128x256xf32, #tpu.memory_space<vmem>>, vector<1x16xf32>,
      %swap3A_314 = arith.index_cast %scan3A_254 : i32 to index
      %swap3A_315 = arith.constant 192 : index
      %swap3A_316 = tpu.vector_load %arg5[%swap3A_314, %swap3A_315] {strides = array<i32>} : memref<128x256xf32, #tpu.memory_space<vmem>>, vector<1x16xf32>,
      %swap3A_317 = vector.shape_cast %swap3A_316 : vector<1x16xf32> to vector<16xf32>
      %swap3A_318 = vector.shape_cast %get3A_73 : vector<16xf32> to vector<1x16xf32>
      tpu.vector_store %arg5[%swap3A_314, %swap3A_315], %swap3A_318 {strides = array<i32>} : memref<128x256xf32, #tpu.memory_space<vmem>>, vector<1x16xf32>,
      %swap3A_319 = arith.index_cast %scan3A_254 : i32 to index
      %swap3A_320 = arith.constant 208 : index
      %swap3A_321 = tpu.vector_load %arg5[%swap3A_319, %swap3A_320] {strides = array<i32>} : memref<128x256xf32, #tpu.memory_space<vmem>>, vector<1x16xf32>,
      %swap3A_322 = vector.shape_cast %swap3A_321 : vector<1x16xf32> to vector<16xf32>
      %swap3A_323 = vector.shape_cast %get3A_78 : vector<16xf32> to vector<1x16xf32>
      tpu.vector_store %arg5[%swap3A_319, %swap3A_320], %swap3A_323 {strides = array<i32>} : memref<128x256xf32, #tpu.memory_space<vmem>>, vector<1x16xf32>,
      %swap3A_324 = arith.index_cast %scan3A_254 : i32 to index
      %swap3A_325 = arith.constant 224 : index
      %swap3A_326 = tpu.vector_load %arg5[%swap3A_324, %swap3A_325] {strides = array<i32>} : memref<128x256xf32, #tpu.memory_space<vmem>>, vector<1x16xf32>,
      %swap3A_327 = vector.shape_cast %swap3A_326 : vector<1x16xf32> to vector<16xf32>
      %swap3A_328 = vector.shape_cast %get3A_83 : vector<16xf32> to vector<1x16xf32>
      tpu.vector_store %arg5[%swap3A_324, %swap3A_325], %swap3A_328 {strides = array<i32>} : memref<128x256xf32, #tpu.memory_space<vmem>>, vector<1x16xf32>,
      %swap3A_329 = arith.index_cast %scan3A_254 : i32 to index
      %swap3A_330 = arith.constant 240 : index
      %swap3A_331 = tpu.vector_load %arg5[%swap3A_329, %swap3A_330] {strides = array<i32>} : memref<128x256xf32, #tpu.memory_space<vmem>>, vector<1x16xf32>,
      %swap3A_332 = vector.shape_cast %swap3A_331 : vector<1x16xf32> to vector<16xf32>
      %swap3A_333 = vector.shape_cast %get3A_88 : vector<16xf32> to vector<1x16xf32>
      tpu.vector_store %arg5[%swap3A_329, %swap3A_330], %swap3A_333 {strides = array<i32>} : memref<128x256xf32, #tpu.memory_space<vmem>>, vector<1x16xf32>,
    }
    %scan3A_93 = arith.constant 128 : i32
    %mul3A_94 = arith.constant 2048 : i32
    %mul3A_95 = arith.muli %add3A, %mul3A_94 : i32
    %add3A_96 = arith.constant 0 : i32
    %add3A_97 = arith.addi %mul3A_95, %add3A_96 : i32
    %dma_start3A = arith.constant 0 : i32
    %dma_start3A_98 = tpu.memref_slice %arg3[%add3A_97, %dma_start3A] : memref<65536x256xf32, #tpu.memory_space<hbm>> -> memref<128x256xf32, #tpu.memory_space<hbm>>
    %dma_start3A_99 = arith.constant 0 : i32
    %dma_start3A_100 = tpu.memref_slice %arg3[%add3A_97, %dma_start3A_99] : memref<65536x256xf32, #tpu.memory_space<hbm>> -> memref<128x256xf32, #tpu.memory_space<hbm>>
    tpu.enqueue_dma source(%arg5 : memref<128x256xf32, #tpu.memory_space<vmem>>) target(%dma_start3A_100 : memref<128x256xf32, #tpu.memory_space<hbm>>) target_semaphore(%arg6 : memref<!tpu.dma_semaphore, #tpu.memory_space<semaphore_mem>>)
    %add3A_101 = arith.constant 128 : i32
    %add3A_102 = arith.addi %mul3A_95, %add3A_101 : i32
    %dma_start3A_103 = arith.constant 0 : i32
    %dma_start3A_104 = tpu.memref_slice %arg3[%add3A_102, %dma_start3A_103] : memref<65536x256xf32, #tpu.memory_space<hbm>> -> memref<128x256xf32, #tpu.memory_space<hbm>>
    %dma_start3A_105 = arith.constant 0 : i32
    %dma_start3A_106 = tpu.memref_slice %arg3[%add3A_102, %dma_start3A_105] : memref<65536x256xf32, #tpu.memory_space<hbm>> -> memref<128x256xf32, #tpu.memory_space<hbm>>
    tpu.enqueue_dma source(%arg5 : memref<128x256xf32, #tpu.memory_space<vmem>>) target(%dma_start3A_106 : memref<128x256xf32, #tpu.memory_space<hbm>>) target_semaphore(%arg6 : memref<!tpu.dma_semaphore, #tpu.memory_space<semaphore_mem>>)
    %add3A_107 = arith.constant 256 : i32
    %add3A_108 = arith.addi %mul3A_95, %add3A_107 : i32
    %dma_start3A_109 = arith.constant 0 : i32
    %dma_start3A_110 = tpu.memref_slice %arg3[%add3A_108, %dma_start3A_109] : memref<65536x256xf32, #tpu.memory_space<hbm>> -> memref<128x256xf32, #tpu.memory_space<hbm>>
    %dma_start3A_111 = arith.constant 0 : i32
    %dma_start3A_112 = tpu.memref_slice %arg3[%add3A_108, %dma_start3A_111] : memref<65536x256xf32, #tpu.memory_space<hbm>> -> memref<128x256xf32, #tpu.memory_space<hbm>>
    tpu.enqueue_dma source(%arg5 : memref<128x256xf32, #tpu.memory_space<vmem>>) target(%dma_start3A_112 : memref<128x256xf32, #tpu.memory_space<hbm>>) target_semaphore(%arg6 : memref<!tpu.dma_semaphore, #tpu.memory_space<semaphore_mem>>)
    %add3A_113 = arith.constant 384 : i32
    %add3A_114 = arith.addi %mul3A_95, %add3A_113 : i32
    %dma_start3A_115 = arith.constant 0 : i32
    %dma_start3A_116 = tpu.memref_slice %arg3[%add3A_114, %dma_start3A_115] : memref<65536x256xf32, #tpu.memory_space<hbm>> -> memref<128x256xf32, #tpu.memory_space<hbm>>
    %dma_start3A_117 = arith.constant 0 : i32
    %dma_start3A_118 = tpu.memref_slice %arg3[%add3A_114, %dma_start3A_117] : memref<65536x256xf32, #tpu.memory_space<hbm>> -> memref<128x256xf32, #tpu.memory_space<hbm>>
    tpu.enqueue_dma source(%arg5 : memref<128x256xf32, #tpu.memory_space<vmem>>) target(%dma_start3A_118 : memref<128x256xf32, #tpu.memory_space<hbm>>) target_semaphore(%arg6 : memref<!tpu.dma_semaphore, #tpu.memory_space<semaphore_mem>>)
    %add3A_119 = arith.constant 512 : i32
    %add3A_120 = arith.addi %mul3A_95, %add3A_119 : i32
    %dma_start3A_121 = arith.constant 0 : i32
    %dma_start3A_122 = tpu.memref_slice %arg3[%add3A_120, %dma_start3A_121] : memref<65536x256xf32, #tpu.memory_space<hbm>> -> memref<128x256xf32, #tpu.memory_space<hbm>>
    %dma_start3A_123 = arith.constant 0 : i32
    %dma_start3A_124 = tpu.memref_slice %arg3[%add3A_120, %dma_start3A_123] : memref<65536x256xf32, #tpu.memory_space<hbm>> -> memref<128x256xf32, #tpu.memory_space<hbm>>
    tpu.enqueue_dma source(%arg5 : memref<128x256xf32, #tpu.memory_space<vmem>>) target(%dma_start3A_124 : memref<128x256xf32, #tpu.memory_space<hbm>>) target_semaphore(%arg6 : memref<!tpu.dma_semaphore, #tpu.memory_space<semaphore_mem>>)
    %add3A_125 = arith.constant 640 : i32
    %add3A_126 = arith.addi %mul3A_95, %add3A_125 : i32
    %dma_start3A_127 = arith.constant 0 : i32
    %dma_start3A_128 = tpu.memref_slice %arg3[%add3A_126, %dma_start3A_127] : memref<65536x256xf32, #tpu.memory_space<hbm>> -> memref<128x256xf32, #tpu.memory_space<hbm>>
    %dma_start3A_129 = arith.constant 0 : i32
    %dma_start3A_130 = tpu.memref_slice %arg3[%add3A_126, %dma_start3A_129] : memref<65536x256xf32, #tpu.memory_space<hbm>> -> memref<128x256xf32, #tpu.memory_space<hbm>>
    tpu.enqueue_dma source(%arg5 : memref<128x256xf32, #tpu.memory_space<vmem>>) target(%dma_start3A_130 : memref<128x256xf32, #tpu.memory_space<hbm>>) target_semaphore(%arg6 : memref<!tpu.dma_semaphore, #tpu.memory_space<semaphore_mem>>)
    %add3A_131 = arith.constant 768 : i32
    %add3A_132 = arith.addi %mul3A_95, %add3A_131 : i32
    %dma_start3A_133 = arith.constant 0 : i32
    %dma_start3A_134 = tpu.memref_slice %arg3[%add3A_132, %dma_start3A_133] : memref<65536x256xf32, #tpu.memory_space<hbm>> -> memref<128x256xf32, #tpu.memory_space<hbm>>
    %dma_start3A_135 = arith.constant 0 : i32
    %dma_start3A_136 = tpu.memref_slice %arg3[%add3A_132, %dma_start3A_135] : memref<65536x256xf32, #tpu.memory_space<hbm>> -> memref<128x256xf32, #tpu.memory_space<hbm>>
    tpu.enqueue_dma source(%arg5 : memref<128x256xf32, #tpu.memory_space<vmem>>) target(%dma_start3A_136 : memref<128x256xf32, #tpu.memory_space<hbm>>) target_semaphore(%arg6 : memref<!tpu.dma_semaphore, #tpu.memory_space<semaphore_mem>>)
    %add3A_137 = arith.constant 896 : i32
    %add3A_138 = arith.addi %mul3A_95, %add3A_137 : i32
    %dma_start3A_139 = arith.constant 0 : i32
    %dma_start3A_140 = tpu.memref_slice %arg3[%add3A_138, %dma_start3A_139] : memref<65536x256xf32, #tpu.memory_space<hbm>> -> memref<128x256xf32, #tpu.memory_space<hbm>>
    %dma_start3A_141 = arith.constant 0 : i32
    %dma_start3A_142 = tpu.memref_slice %arg3[%add3A_138, %dma_start3A_141] : memref<65536x256xf32, #tpu.memory_space<hbm>> -> memref<128x256xf32, #tpu.memory_space<hbm>>
    tpu.enqueue_dma source(%arg5 : memref<128x256xf32, #tpu.memory_space<vmem>>) target(%dma_start3A_142 : memref<128x256xf32, #tpu.memory_space<hbm>>) target_semaphore(%arg6 : memref<!tpu.dma_semaphore, #tpu.memory_space<semaphore_mem>>)
    %add3A_143 = arith.constant 1024 : i32
    %add3A_144 = arith.addi %mul3A_95, %add3A_143 : i32
    %dma_start3A_145 = arith.constant 0 : i32
    %dma_start3A_146 = tpu.memref_slice %arg3[%add3A_144, %dma_start3A_145] : memref<65536x256xf32, #tpu.memory_space<hbm>> -> memref<128x256xf32, #tpu.memory_space<hbm>>
    %dma_start3A_147 = arith.constant 0 : i32
    %dma_start3A_148 = tpu.memref_slice %arg3[%add3A_144, %dma_start3A_147] : memref<65536x256xf32, #tpu.memory_space<hbm>> -> memref<128x256xf32, #tpu.memory_space<hbm>>
    tpu.enqueue_dma source(%arg5 : memref<128x256xf32, #tpu.memory_space<vmem>>) target(%dma_start3A_148 : memref<128x256xf32, #tpu.memory_space<hbm>>) target_semaphore(%arg6 : memref<!tpu.dma_semaphore, #tpu.memory_space<semaphore_mem>>)
    %add3A_149 = arith.constant 1152 : i32
    %add3A_150 = arith.addi %mul3A_95, %add3A_149 : i32
    %dma_start3A_151 = arith.constant 0 : i32
    %dma_start3A_152 = tpu.memref_slice %arg3[%add3A_150, %dma_start3A_151] : memref<65536x256xf32, #tpu.memory_space<hbm>> -> memref<128x256xf32, #tpu.memory_space<hbm>>
    %dma_start3A_153 = arith.constant 0 : i32
    %dma_start3A_154 = tpu.memref_slice %arg3[%add3A_150, %dma_start3A_153] : memref<65536x256xf32, #tpu.memory_space<hbm>> -> memref<128x256xf32, #tpu.memory_space<hbm>>
    tpu.enqueue_dma source(%arg5 : memref<128x256xf32, #tpu.memory_space<vmem>>) target(%dma_start3A_154 : memref<128x256xf32, #tpu.memory_space<hbm>>) target_semaphore(%arg6 : memref<!tpu.dma_semaphore, #tpu.memory_space<semaphore_mem>>)
    %add3A_155 = arith.constant 1280 : i32
    %add3A_156 = arith.addi %mul3A_95, %add3A_155 : i32
    %dma_start3A_157 = arith.constant 0 : i32
    %dma_start3A_158 = tpu.memref_slice %arg3[%add3A_156, %dma_start3A_157] : memref<65536x256xf32, #tpu.memory_space<hbm>> -> memref<128x256xf32, #tpu.memory_space<hbm>>
    %dma_start3A_159 = arith.constant 0 : i32
    %dma_start3A_160 = tpu.memref_slice %arg3[%add3A_156, %dma_start3A_159] : memref<65536x256xf32, #tpu.memory_space<hbm>> -> memref<128x256xf32, #tpu.memory_space<hbm>>
    tpu.enqueue_dma source(%arg5 : memref<128x256xf32, #tpu.memory_space<vmem>>) target(%dma_start3A_160 : memref<128x256xf32, #tpu.memory_space<hbm>>) target_semaphore(%arg6 : memref<!tpu.dma_semaphore, #tpu.memory_space<semaphore_mem>>)
    %add3A_161 = arith.constant 1408 : i32
    %add3A_162 = arith.addi %mul3A_95, %add3A_161 : i32
    %dma_start3A_163 = arith.constant 0 : i32
    %dma_start3A_164 = tpu.memref_slice %arg3[%add3A_162, %dma_start3A_163] : memref<65536x256xf32, #tpu.memory_space<hbm>> -> memref<128x256xf32, #tpu.memory_space<hbm>>
    %dma_start3A_165 = arith.constant 0 : i32
    %dma_start3A_166 = tpu.memref_slice %arg3[%add3A_162, %dma_start3A_165] : memref<65536x256xf32, #tpu.memory_space<hbm>> -> memref<128x256xf32, #tpu.memory_space<hbm>>
    tpu.enqueue_dma source(%arg5 : memref<128x256xf32, #tpu.memory_space<vmem>>) target(%dma_start3A_166 : memref<128x256xf32, #tpu.memory_space<hbm>>) target_semaphore(%arg6 : memref<!tpu.dma_semaphore, #tpu.memory_space<semaphore_mem>>)
    %add3A_167 = arith.constant 1536 : i32
    %add3A_168 = arith.addi %mul3A_95, %add3A_167 : i32
    %dma_start3A_169 = arith.constant 0 : i32
    %dma_start3A_170 = tpu.memref_slice %arg3[%add3A_168, %dma_start3A_169] : memref<65536x256xf32, #tpu.memory_space<hbm>> -> memref<128x256xf32, #tpu.memory_space<hbm>>
    %dma_start3A_171 = arith.constant 0 : i32
    %dma_start3A_172 = tpu.memref_slice %arg3[%add3A_168, %dma_start3A_171] : memref<65536x256xf32, #tpu.memory_space<hbm>> -> memref<128x256xf32, #tpu.memory_space<hbm>>
    tpu.enqueue_dma source(%arg5 : memref<128x256xf32, #tpu.memory_space<vmem>>) target(%dma_start3A_172 : memref<128x256xf32, #tpu.memory_space<hbm>>) target_semaphore(%arg6 : memref<!tpu.dma_semaphore, #tpu.memory_space<semaphore_mem>>)
    %add3A_173 = arith.constant 1664 : i32
    %add3A_174 = arith.addi %mul3A_95, %add3A_173 : i32
    %dma_start3A_175 = arith.constant 0 : i32
    %dma_start3A_176 = tpu.memref_slice %arg3[%add3A_174, %dma_start3A_175] : memref<65536x256xf32, #tpu.memory_space<hbm>> -> memref<128x256xf32, #tpu.memory_space<hbm>>
    %dma_start3A_177 = arith.constant 0 : i32
    %dma_start3A_178 = tpu.memref_slice %arg3[%add3A_174, %dma_start3A_177] : memref<65536x256xf32, #tpu.memory_space<hbm>> -> memref<128x256xf32, #tpu.memory_space<hbm>>
    tpu.enqueue_dma source(%arg5 : memref<128x256xf32, #tpu.memory_space<vmem>>) target(%dma_start3A_178 : memref<128x256xf32, #tpu.memory_space<hbm>>) target_semaphore(%arg6 : memref<!tpu.dma_semaphore, #tpu.memory_space<semaphore_mem>>)
    %add3A_179 = arith.constant 1792 : i32
    %add3A_180 = arith.addi %mul3A_95, %add3A_179 : i32
    %dma_start3A_181 = arith.constant 0 : i32
    %dma_start3A_182 = tpu.memref_slice %arg3[%add3A_180, %dma_start3A_181] : memref<65536x256xf32, #tpu.memory_space<hbm>> -> memref<128x256xf32, #tpu.memory_space<hbm>>
    %dma_start3A_183 = arith.constant 0 : i32
    %dma_start3A_184 = tpu.memref_slice %arg3[%add3A_180, %dma_start3A_183] : memref<65536x256xf32, #tpu.memory_space<hbm>> -> memref<128x256xf32, #tpu.memory_space<hbm>>
    tpu.enqueue_dma source(%arg5 : memref<128x256xf32, #tpu.memory_space<vmem>>) target(%dma_start3A_184 : memref<128x256xf32, #tpu.memory_space<hbm>>) target_semaphore(%arg6 : memref<!tpu.dma_semaphore, #tpu.memory_space<semaphore_mem>>)
    %add3A_185 = arith.constant 1920 : i32
    %add3A_186 = arith.addi %mul3A_95, %add3A_185 : i32
    %dma_start3A_187 = arith.constant 0 : i32
    %dma_start3A_188 = tpu.memref_slice %arg3[%add3A_186, %dma_start3A_187] : memref<65536x256xf32, #tpu.memory_space<hbm>> -> memref<128x256xf32, #tpu.memory_space<hbm>>
    %dma_start3A_189 = arith.constant 0 : i32
    %dma_start3A_190 = tpu.memref_slice %arg3[%add3A_186, %dma_start3A_189] : memref<65536x256xf32, #tpu.memory_space<hbm>> -> memref<128x256xf32, #tpu.memory_space<hbm>>
    tpu.enqueue_dma source(%arg5 : memref<128x256xf32, #tpu.memory_space<vmem>>) target(%dma_start3A_190 : memref<128x256xf32, #tpu.memory_space<hbm>>) target_semaphore(%arg6 : memref<!tpu.dma_semaphore, #tpu.memory_space<semaphore_mem>>)
    %dma_wait3A = arith.constant 0 : i32
    %dma_wait3A_191 = tpu.memref_slice %arg3[%add3A_97, %dma_wait3A] : memref<65536x256xf32, #tpu.memory_space<hbm>> -> memref<128x256xf32, #tpu.memory_space<hbm>>
    %dma_wait3A_192 = arith.constant 0 : i32
    %dma_wait3A_193 = tpu.memref_slice %arg3[%add3A_97, %dma_wait3A_192] : memref<65536x256xf32, #tpu.memory_space<hbm>> -> memref<128x256xf32, #tpu.memory_space<hbm>>
    tpu.wait_dma2 semaphore(%arg6 : memref<!tpu.dma_semaphore, #tpu.memory_space<semaphore_mem>>) src(%arg5 : memref<128x256xf32, #tpu.memory_space<vmem>>) dst(%dma_wait3A_193 : memref<128x256xf32, #tpu.memory_space<hbm>>)
    %dma_wait3A_194 = arith.constant 0 : i32
    %dma_wait3A_195 = tpu.memref_slice %arg3[%add3A_102, %dma_wait3A_194] : memref<65536x256xf32, #tpu.memory_space<hbm>> -> memref<128x256xf32, #tpu.memory_space<hbm>>
    %dma_wait3A_196 = arith.constant 0 : i32
    %dma_wait3A_197 = tpu.memref_slice %arg3[%add3A_102, %dma_wait3A_196] : memref<65536x256xf32, #tpu.memory_space<hbm>> -> memref<128x256xf32, #tpu.memory_space<hbm>>
    tpu.wait_dma2 semaphore(%arg6 : memref<!tpu.dma_semaphore, #tpu.memory_space<semaphore_mem>>) src(%arg5 : memref<128x256xf32, #tpu.memory_space<vmem>>) dst(%dma_wait3A_197 : memref<128x256xf32, #tpu.memory_space<hbm>>)
    %dma_wait3A_198 = arith.constant 0 : i32
    %dma_wait3A_199 = tpu.memref_slice %arg3[%add3A_108, %dma_wait3A_198] : memref<65536x256xf32, #tpu.memory_space<hbm>> -> memref<128x256xf32, #tpu.memory_space<hbm>>
    %dma_wait3A_200 = arith.constant 0 : i32
    %dma_wait3A_201 = tpu.memref_slice %arg3[%add3A_108, %dma_wait3A_200] : memref<65536x256xf32, #tpu.memory_space<hbm>> -> memref<128x256xf32, #tpu.memory_space<hbm>>
    tpu.wait_dma2 semaphore(%arg6 : memref<!tpu.dma_semaphore, #tpu.memory_space<semaphore_mem>>) src(%arg5 : memref<128x256xf32, #tpu.memory_space<vmem>>) dst(%dma_wait3A_201 : memref<128x256xf32, #tpu.memory_space<hbm>>)
    %dma_wait3A_202 = arith.constant 0 : i32
    %dma_wait3A_203 = tpu.memref_slice %arg3[%add3A_114, %dma_wait3A_202] : memref<65536x256xf32, #tpu.memory_space<hbm>> -> memref<128x256xf32, #tpu.memory_space<hbm>>
    %dma_wait3A_204 = arith.constant 0 : i32
    %dma_wait3A_205 = tpu.memref_slice %arg3[%add3A_114, %dma_wait3A_204] : memref<65536x256xf32, #tpu.memory_space<hbm>> -> memref<128x256xf32, #tpu.memory_space<hbm>>
    tpu.wait_dma2 semaphore(%arg6 : memref<!tpu.dma_semaphore, #tpu.memory_space<semaphore_mem>>) src(%arg5 : memref<128x256xf32, #tpu.memory_space<vmem>>) dst(%dma_wait3A_205 : memref<128x256xf32, #tpu.memory_space<hbm>>)
    %dma_wait3A_206 = arith.constant 0 : i32
    %dma_wait3A_207 = tpu.memref_slice %arg3[%add3A_120, %dma_wait3A_206] : memref<65536x256xf32, #tpu.memory_space<hbm>> -> memref<128x256xf32, #tpu.memory_space<hbm>>
    %dma_wait3A_208 = arith.constant 0 : i32
    %dma_wait3A_209 = tpu.memref_slice %arg3[%add3A_120, %dma_wait3A_208] : memref<65536x256xf32, #tpu.memory_space<hbm>> -> memref<128x256xf32, #tpu.memory_space<hbm>>
    tpu.wait_dma2 semaphore(%arg6 : memref<!tpu.dma_semaphore, #tpu.memory_space<semaphore_mem>>) src(%arg5 : memref<128x256xf32, #tpu.memory_space<vmem>>) dst(%dma_wait3A_209 : memref<128x256xf32, #tpu.memory_space<hbm>>)
    %dma_wait3A_210 = arith.constant 0 : i32
    %dma_wait3A_211 = tpu.memref_slice %arg3[%add3A_126, %dma_wait3A_210] : memref<65536x256xf32, #tpu.memory_space<hbm>> -> memref<128x256xf32, #tpu.memory_space<hbm>>
    %dma_wait3A_212 = arith.constant 0 : i32
    %dma_wait3A_213 = tpu.memref_slice %arg3[%add3A_126, %dma_wait3A_212] : memref<65536x256xf32, #tpu.memory_space<hbm>> -> memref<128x256xf32, #tpu.memory_space<hbm>>
    tpu.wait_dma2 semaphore(%arg6 : memref<!tpu.dma_semaphore, #tpu.memory_space<semaphore_mem>>) src(%arg5 : memref<128x256xf32, #tpu.memory_space<vmem>>) dst(%dma_wait3A_213 : memref<128x256xf32, #tpu.memory_space<hbm>>)
    %dma_wait3A_214 = arith.constant 0 : i32
    %dma_wait3A_215 = tpu.memref_slice %arg3[%add3A_132, %dma_wait3A_214] : memref<65536x256xf32, #tpu.memory_space<hbm>> -> memref<128x256xf32, #tpu.memory_space<hbm>>
    %dma_wait3A_216 = arith.constant 0 : i32
    %dma_wait3A_217 = tpu.memref_slice %arg3[%add3A_132, %dma_wait3A_216] : memref<65536x256xf32, #tpu.memory_space<hbm>> -> memref<128x256xf32, #tpu.memory_space<hbm>>
    tpu.wait_dma2 semaphore(%arg6 : memref<!tpu.dma_semaphore, #tpu.memory_space<semaphore_mem>>) src(%arg5 : memref<128x256xf32, #tpu.memory_space<vmem>>) dst(%dma_wait3A_217 : memref<128x256xf32, #tpu.memory_space<hbm>>)
    %dma_wait3A_218 = arith.constant 0 : i32
    %dma_wait3A_219 = tpu.memref_slice %arg3[%add3A_138, %dma_wait3A_218] : memref<65536x256xf32, #tpu.memory_space<hbm>> -> memref<128x256xf32, #tpu.memory_space<hbm>>
    %dma_wait3A_220 = arith.constant 0 : i32
    %dma_wait3A_221 = tpu.memref_slice %arg3[%add3A_138, %dma_wait3A_220] : memref<65536x256xf32, #tpu.memory_space<hbm>> -> memref<128x256xf32, #tpu.memory_space<hbm>>
    tpu.wait_dma2 semaphore(%arg6 : memref<!tpu.dma_semaphore, #tpu.memory_space<semaphore_mem>>) src(%arg5 : memref<128x256xf32, #tpu.memory_space<vmem>>) dst(%dma_wait3A_221 : memref<128x256xf32, #tpu.memory_space<hbm>>)
    %dma_wait3A_222 = arith.constant 0 : i32
    %dma_wait3A_223 = tpu.memref_slice %arg3[%add3A_144, %dma_wait3A_222] : memref<65536x256xf32, #tpu.memory_space<hbm>> -> memref<128x256xf32, #tpu.memory_space<hbm>>
    %dma_wait3A_224 = arith.constant 0 : i32
    %dma_wait3A_225 = tpu.memref_slice %arg3[%add3A_144, %dma_wait3A_224] : memref<65536x256xf32, #tpu.memory_space<hbm>> -> memref<128x256xf32, #tpu.memory_space<hbm>>
    tpu.wait_dma2 semaphore(%arg6 : memref<!tpu.dma_semaphore, #tpu.memory_space<semaphore_mem>>) src(%arg5 : memref<128x256xf32, #tpu.memory_space<vmem>>) dst(%dma_wait3A_225 : memref<128x256xf32, #tpu.memory_space<hbm>>)
    %dma_wait3A_226 = arith.constant 0 : i32
    %dma_wait3A_227 = tpu.memref_slice %arg3[%add3A_150, %dma_wait3A_226] : memref<65536x256xf32, #tpu.memory_space<hbm>> -> memref<128x256xf32, #tpu.memory_space<hbm>>
    %dma_wait3A_228 = arith.constant 0 : i32
    %dma_wait3A_229 = tpu.memref_slice %arg3[%add3A_150, %dma_wait3A_228] : memref<65536x256xf32, #tpu.memory_space<hbm>> -> memref<128x256xf32, #tpu.memory_space<hbm>>
    tpu.wait_dma2 semaphore(%arg6 : memref<!tpu.dma_semaphore, #tpu.memory_space<semaphore_mem>>) src(%arg5 : memref<128x256xf32, #tpu.memory_space<vmem>>) dst(%dma_wait3A_229 : memref<128x256xf32, #tpu.memory_space<hbm>>)
    %dma_wait3A_230 = arith.constant 0 : i32
    %dma_wait3A_231 = tpu.memref_slice %arg3[%add3A_156, %dma_wait3A_230] : memref<65536x256xf32, #tpu.memory_space<hbm>> -> memref<128x256xf32, #tpu.memory_space<hbm>>
    %dma_wait3A_232 = arith.constant 0 : i32
    %dma_wait3A_233 = tpu.memref_slice %arg3[%add3A_156, %dma_wait3A_232] : memref<65536x256xf32, #tpu.memory_space<hbm>> -> memref<128x256xf32, #tpu.memory_space<hbm>>
    tpu.wait_dma2 semaphore(%arg6 : memref<!tpu.dma_semaphore, #tpu.memory_space<semaphore_mem>>) src(%arg5 : memref<128x256xf32, #tpu.memory_space<vmem>>) dst(%dma_wait3A_233 : memref<128x256xf32, #tpu.memory_space<hbm>>)
    %dma_wait3A_234 = arith.constant 0 : i32
    %dma_wait3A_235 = tpu.memref_slice %arg3[%add3A_162, %dma_wait3A_234] : memref<65536x256xf32, #tpu.memory_space<hbm>> -> memref<128x256xf32, #tpu.memory_space<hbm>>
    %dma_wait3A_236 = arith.constant 0 : i32
    %dma_wait3A_237 = tpu.memref_slice %arg3[%add3A_162, %dma_wait3A_236] : memref<65536x256xf32, #tpu.memory_space<hbm>> -> memref<128x256xf32, #tpu.memory_space<hbm>>
    tpu.wait_dma2 semaphore(%arg6 : memref<!tpu.dma_semaphore, #tpu.memory_space<semaphore_mem>>) src(%arg5 : memref<128x256xf32, #tpu.memory_space<vmem>>) dst(%dma_wait3A_237 : memref<128x256xf32, #tpu.memory_space<hbm>>)
    %dma_wait3A_238 = arith.constant 0 : i32
    %dma_wait3A_239 = tpu.memref_slice %arg3[%add3A_168, %dma_wait3A_238] : memref<65536x256xf32, #tpu.memory_space<hbm>> -> memref<128x256xf32, #tpu.memory_space<hbm>>
    %dma_wait3A_240 = arith.constant 0 : i32
    %dma_wait3A_241 = tpu.memref_slice %arg3[%add3A_168, %dma_wait3A_240] : memref<65536x256xf32, #tpu.memory_space<hbm>> -> memref<128x256xf32, #tpu.memory_space<hbm>>
    tpu.wait_dma2 semaphore(%arg6 : memref<!tpu.dma_semaphore, #tpu.memory_space<semaphore_mem>>) src(%arg5 : memref<128x256xf32, #tpu.memory_space<vmem>>) dst(%dma_wait3A_241 : memref<128x256xf32, #tpu.memory_space<hbm>>)
    %dma_wait3A_242 = arith.constant 0 : i32
    %dma_wait3A_243 = tpu.memref_slice %arg3[%add3A_174, %dma_wait3A_242] : memref<65536x256xf32, #tpu.memory_space<hbm>> -> memref<128x256xf32, #tpu.memory_space<hbm>>
    %dma_wait3A_244 = arith.constant 0 : i32
    %dma_wait3A_245 = tpu.memref_slice %arg3[%add3A_174, %dma_wait3A_244] : memref<65536x256xf32, #tpu.memory_space<hbm>> -> memref<128x256xf32, #tpu.memory_space<hbm>>
    tpu.wait_dma2 semaphore(%arg6 : memref<!tpu.dma_semaphore, #tpu.memory_space<semaphore_mem>>) src(%arg5 : memref<128x256xf32, #tpu.memory_space<vmem>>) dst(%dma_wait3A_245 : memref<128x256xf32, #tpu.memory_space<hbm>>)
    %dma_wait3A_246 = arith.constant 0 : i32
    %dma_wait3A_247 = tpu.memref_slice %arg3[%add3A_180, %dma_wait3A_246] : memref<65536x256xf32, #tpu.memory_space<hbm>> -> memref<128x256xf32, #tpu.memory_space<hbm>>
    %dma_wait3A_248 = arith.constant 0 : i32
    %dma_wait3A_249 = tpu.memref_slice %arg3[%add3A_180, %dma_wait3A_248] : memref<65536x256xf32, #tpu.memory_space<hbm>> -> memref<128x256xf32, #tpu.memory_space<hbm>>
    tpu.wait_dma2 semaphore(%arg6 : memref<!tpu.dma_semaphore, #tpu.memory_space<semaphore_mem>>) src(%arg5 : memref<128x256xf32, #tpu.memory_space<vmem>>) dst(%dma_wait3A_249 : memref<128x256xf32, #tpu.memory_space<hbm>>)
    %dma_wait3A_250 = arith.constant 0 : i32
    %dma_wait3A_251 = tpu.memref_slice %arg3[%add3A_186, %dma_wait3A_250] : memref<65536x256xf32, #tpu.memory_space<hbm>> -> memref<128x256xf32, #tpu.memory_space<hbm>>
    %dma_wait3A_252 = arith.constant 0 : i32
    %dma_wait3A_253 = tpu.memref_slice %arg3[%add3A_186, %dma_wait3A_252] : memref<65536x256xf32, #tpu.memory_space<hbm>> -> memref<128x256xf32, #tpu.memory_space<hbm>>
    tpu.wait_dma2 semaphore(%arg6 : memref<!tpu.dma_semaphore, #tpu.memory_space<semaphore_mem>>) src(%arg5 : memref<128x256xf32, #tpu.memory_space<vmem>>) dst(%dma_wait3A_253 : memref<128x256xf32, #tpu.memory_space<hbm>>)
    return
  }
}

module attributes {stable_mosaic.version = 14 : i64} {
  func.func @_vt_kernel(%arg0: i32, %arg1: i32, %arg2: memref<1x2048x6xf32, #tpu.memory_space<vmem>>, %arg3: memref<1x2048x1xf32, #tpu.memory_space<vmem>>, %arg4: memref<6x256xf32, #tpu.memory_space<vmem>>, %arg5: memref<6x30xf32, #tpu.memory_space<vmem>>, %arg6: memref<1x30xf32, #tpu.memory_space<vmem>>, %arg7: memref<30x256xf32, #tpu.memory_space<vmem>>, %arg8: memref<1x256xf32, #tpu.memory_space<vmem>>, %arg9: memref<1x256xf32, #tpu.memory_space<vmem>>, %arg10: memref<2048x256xf32, #tpu.memory_space<vmem>>, %arg11: memref<1x256xf32, #tpu.memory_space<vmem>>, %arg12: memref<1x2048x256xf32, #tpu.memory_space<vmem>>, %arg13: memref<2048x256xf32, #tpu.memory_space<vmem>>) attributes {dimension_semantics = [#tpu.dimension_semantics<parallel>, #tpu.dimension_semantics<arbitrary>], iteration_bounds = array<i64: 4, 8>, scalar_prefetch = 0 : i64, scratch_operands = 1 : i64, tpu.core_type = #tpu.core_type<tc>, window_params = [{transform_indices = @transform_0, window_bounds = array<i64: 1, 2048, 6>}, {transform_indices = @transform_1, window_bounds = array<i64: 1, 2048, 1>}, {pipeline_mode = #tpu.pipeline_mode<synchronous>, transform_indices = @transform_2, window_bounds = array<i64: 6, 256>}, {pipeline_mode = #tpu.pipeline_mode<synchronous>, transform_indices = @transform_3, window_bounds = array<i64: 6, 30>}, {pipeline_mode = #tpu.pipeline_mode<synchronous>, transform_indices = @transform_4, window_bounds = array<i64: 1, 30>}, {pipeline_mode = #tpu.pipeline_mode<synchronous>, transform_indices = @transform_5, window_bounds = array<i64: 30, 256>}, {pipeline_mode = #tpu.pipeline_mode<synchronous>, transform_indices = @transform_6, window_bounds = array<i64: 1, 256>}, {pipeline_mode = #tpu.pipeline_mode<synchronous>, transform_indices = @transform_7, window_bounds = array<i64: 1, 256>}, {pipeline_mode = #tpu.pipeline_mode<synchronous>, transform_indices = @transform_8, window_bounds = array<i64: 2048, 256>}, {pipeline_mode = #tpu.pipeline_mode<synchronous>, transform_indices = @transform_9, window_bounds = array<i64: 1, 256>}, {transform_indices = @transform_10, window_bounds = array<i64: 1, 2048, 256>}]} {
    %eq3A = arith.constant 0 : i32
    %eq3A_0 = arith.cmpi eq, %arg1, %eq3A : i32
    %convert_element_type3A = arith.extui %eq3A_0 : i1 to i32
    %cond3A = arith.constant 0 : i32
    %cond3A_1 = arith.cmpi ne, %convert_element_type3A, %cond3A : i32
    scf.if %cond3A_1 {
      %get3A_30 = arith.constant 0 : index
      %get3A_31 = arith.constant 0 : index
      %get3A_32 = arith.constant 0 : index
      %get3A_33 = vector.load %arg2[%get3A_30, %get3A_31, %get3A_32] : memref<1x2048x6xf32, #tpu.memory_space<vmem>>, vector<1x2048x6xf32>
      %get3A_34 = vector.shape_cast %get3A_33 : vector<1x2048x6xf32> to vector<2048x6xf32>
      %ne3A_35 = arith.cmpf one, %get3A_34, %get3A_34 : vector<2048x6xf32>
      %jit3A_36 = arith.constant 0.000000e+00 : f32
      %broadcast_in_dim3A_37 = vector.broadcast %jit3A_36 : f32 to vector<2048x6xf32>
      %select_n3A_38 = arith.select %ne3A_35, %broadcast_in_dim3A_37, %get3A_34 : vector<2048x6xi1>, vector<2048x6xf32>
      %eq3A_39 = arith.constant 0x7F800000 : f32
      %eq3A_40 = vector.broadcast %eq3A_39 : f32 to vector<2048x6xf32>
      %eq3A_41 = arith.cmpf oeq, %select_n3A_38, %eq3A_40 : vector<2048x6xf32>
      %jit3A_42 = arith.constant 3.40282347E+38 : f32
      %broadcast_in_dim3A_43 = vector.broadcast %jit3A_42 : f32 to vector<2048x6xf32>
      %select_n3A_44 = arith.select %eq3A_41, %broadcast_in_dim3A_43, %select_n3A_38 : vector<2048x6xi1>, vector<2048x6xf32>
      %eq3A_45 = arith.constant 0xFF800000 : f32
      %eq3A_46 = vector.broadcast %eq3A_45 : f32 to vector<2048x6xf32>
      %eq3A_47 = arith.cmpf oeq, %select_n3A_44, %eq3A_46 : vector<2048x6xf32>
      %jit3A_48 = arith.constant -3.40282347E+38 : f32
      %broadcast_in_dim3A_49 = vector.broadcast %jit3A_48 : f32 to vector<2048x6xf32>
      %select_n3A_50 = arith.select %eq3A_47, %broadcast_in_dim3A_49, %select_n3A_44 : vector<2048x6xi1>, vector<2048x6xf32>
      %get3A_51 = arith.constant 0 : index
      %get3A_52 = arith.constant 0 : index
      %get3A_53 = vector.load %arg4[%get3A_51, %get3A_52] : memref<6x256xf32, #tpu.memory_space<vmem>>, vector<6x256xf32>
      %dot_general3A = arith.constant dense<0.000000e+00> : vector<2048x256xf32>
      %dot_general3A_54 = tpu.matmul %select_n3A_50, %get3A_53, %dot_general3A {dimension_numbers = #tpu.dot_dimension_numbers<[1], [0], [0], [1], [0, 0, 1, 1], [], []>, precision = #tpu.contract_precision<fp32>, transpose_lhs_hint = false} : vector<2048x6xf32>, vector<6x256xf32>, vector<2048x256xf32> -> vector<2048x256xf32>
      %get3A_55 = arith.constant 0 : index
      %get3A_56 = arith.constant 0 : index
      %get3A_57 = vector.load %arg5[%get3A_55, %get3A_56] : memref<6x30xf32, #tpu.memory_space<vmem>>, vector<6x30xf32>
      %dot_general3A_58 = arith.constant dense<0.000000e+00> : vector<2048x30xf32>
      %dot_general3A_59 = tpu.matmul %select_n3A_50, %get3A_57, %dot_general3A_58 {dimension_numbers = #tpu.dot_dimension_numbers<[1], [0], [0], [1], [0, 0, 1, 1], [], []>, precision = #tpu.contract_precision<fp32>, transpose_lhs_hint = false} : vector<2048x6xf32>, vector<6x30xf32>, vector<2048x30xf32> -> vector<2048x30xf32>
      %get3A_60 = arith.constant 0 : index
      %get3A_61 = arith.constant 0 : index
      %get3A_62 = vector.load %arg6[%get3A_60, %get3A_61] : memref<1x30xf32, #tpu.memory_space<vmem>>, vector<1x30xf32>
      %add3A_63 = vector.broadcast %get3A_62 : vector<1x30xf32> to vector<2048x30xf32>
      %add3A_64 = arith.addf %dot_general3A_59, %add3A_63 : vector<2048x30xf32>
      %sin3A = math.sin %add3A_64 : vector<2048x30xf32>
      %get3A_65 = arith.constant 0 : index
      %get3A_66 = arith.constant 0 : index
      %get3A_67 = vector.load %arg7[%get3A_65, %get3A_66] : memref<30x256xf32, #tpu.memory_space<vmem>>, vector<30x256xf32>
      %dot_general3A_68 = arith.constant dense<0.000000e+00> : vector<2048x256xf32>
      %dot_general3A_69 = tpu.matmul %sin3A, %get3A_67, %dot_general3A_68 {dimension_numbers = #tpu.dot_dimension_numbers<[1], [0], [0], [1], [0, 0, 1, 1], [], []>, precision = #tpu.contract_precision<fp32>, transpose_lhs_hint = false} : vector<2048x30xf32>, vector<30x256xf32>, vector<2048x256xf32> -> vector<2048x256xf32>
      %get3A_70 = arith.constant 0 : index
      %get3A_71 = arith.constant 0 : index
      %get3A_72 = vector.load %arg10[%get3A_70, %get3A_71] : memref<2048x256xf32, #tpu.memory_space<vmem>>, vector<2048x256xf32>
      %add3A_73 = arith.addf %get3A_72, %dot_general3A_54 : vector<2048x256xf32>
      %add3A_74 = arith.addf %add3A_73, %dot_general3A_69 : vector<2048x256xf32>
      %get3A_75 = arith.constant 0 : index
      %get3A_76 = arith.constant 0 : index
      %get3A_77 = vector.load %arg9[%get3A_75, %get3A_76] : memref<1x256xf32, #tpu.memory_space<vmem>>, vector<1x256xf32>
      %add3A_78 = vector.broadcast %get3A_77 : vector<1x256xf32> to vector<2048x256xf32>
      %add3A_79 = arith.addf %add3A_74, %add3A_78 : vector<2048x256xf32>
      %swap3A_80 = arith.constant 0 : index
      %swap3A_81 = arith.constant 0 : index
      %swap3A_82 = vector.load %arg13[%swap3A_80, %swap3A_81] : memref<2048x256xf32, #tpu.memory_space<vmem>>, vector<2048x256xf32>
      tpu.vector_store %arg13[%swap3A_80, %swap3A_81], %add3A_79 {strides = array<i32>} : memref<2048x256xf32, #tpu.memory_space<vmem>>, vector<2048x256xf32>,
    } else {
    }
    %get3A = arith.constant 0 : index
    %get3A_2 = arith.constant 0 : index
    %get3A_3 = arith.constant 0 : index
    %get3A_4 = vector.load %arg3[%get3A, %get3A_2, %get3A_3] : memref<1x2048x1xf32, #tpu.memory_space<vmem>>, vector<1x2048x1xf32>
    %get3A_5 = vector.shape_cast %get3A_4 : vector<1x2048x1xf32> to vector<2048x1xf32>
    %ne3A = arith.cmpf one, %get3A_5, %get3A_5 : vector<2048x1xf32>
    %convert_element_type3A_6 = arith.extui %ne3A : vector<2048x1xi1> to vector<2048x1xi32>
    %convert_element_type3A_7 = arith.sitofp %convert_element_type3A_6 : vector<2048x1xi32> to vector<2048x1xf32>
    %gt3A = arith.constant 0.000000e+00 : f32
    %gt3A_8 = vector.broadcast %gt3A : f32 to vector<2048x1xf32>
    %gt3A_9 = arith.cmpf ogt, %convert_element_type3A_7, %gt3A_8 : vector<2048x1xf32>
    %jit3A = arith.constant 0.000000e+00 : f32
    %broadcast_in_dim3A = vector.broadcast %jit3A : f32 to vector<2048x1xf32>
    %select_n3A = arith.select %gt3A_9, %broadcast_in_dim3A, %get3A_5 : vector<2048x1xi1>, vector<2048x1xf32>
    %get3A_10 = arith.constant 0 : index
    %get3A_11 = arith.constant 0 : index
    %get3A_12 = vector.load %arg13[%get3A_10, %get3A_11] : memref<2048x256xf32, #tpu.memory_space<vmem>>, vector<2048x256xf32>
    %get3A_13 = arith.constant 0 : index
    %get3A_14 = arith.constant 0 : index
    %get3A_15 = vector.load %arg8[%get3A_13, %get3A_14] : memref<1x256xf32, #tpu.memory_space<vmem>>, vector<1x256xf32>
    %mul3A = vector.broadcast %select_n3A : vector<2048x1xf32> to vector<2048x256xf32>
    %mul3A_16 = vector.broadcast %get3A_15 : vector<1x256xf32> to vector<2048x256xf32>
    %mul3A_17 = arith.mulf %mul3A, %mul3A_16 : vector<2048x256xf32>
    %add3A = arith.addf %get3A_12, %mul3A_17 : vector<2048x256xf32>
    %get3A_18 = arith.constant 0 : index
    %get3A_19 = arith.constant 0 : index
    %get3A_20 = vector.load %arg11[%get3A_18, %get3A_19] : memref<1x256xf32, #tpu.memory_space<vmem>>, vector<1x256xf32>
    %mul3A_21 = vector.broadcast %convert_element_type3A_7 : vector<2048x1xf32> to vector<2048x256xf32>
    %mul3A_22 = vector.broadcast %get3A_20 : vector<1x256xf32> to vector<2048x256xf32>
    %mul3A_23 = arith.mulf %mul3A_21, %mul3A_22 : vector<2048x256xf32>
    %add3A_24 = arith.addf %add3A, %mul3A_23 : vector<2048x256xf32>
    %swap3A = arith.constant 0 : index
    %swap3A_25 = arith.constant 0 : index
    %swap3A_26 = arith.constant 0 : index
    %swap3A_27 = vector.load %arg12[%swap3A, %swap3A_25, %swap3A_26] : memref<1x2048x256xf32, #tpu.memory_space<vmem>>, vector<1x2048x256xf32>
    %swap3A_28 = vector.shape_cast %swap3A_27 : vector<1x2048x256xf32> to vector<2048x256xf32>
    %swap3A_29 = vector.shape_cast %add3A_24 : vector<2048x256xf32> to vector<1x2048x256xf32>
    tpu.vector_store %arg12[%swap3A, %swap3A_25, %swap3A_26], %swap3A_29 {strides = array<i32>} : memref<1x2048x256xf32, #tpu.memory_space<vmem>>, vector<1x2048x256xf32>,
    return
  }
  func.func @transform_0(%arg0: i32, %arg1: i32) -> (i32, i32, i32) {
    %c0_i32 = arith.constant 0 : i32
    %c0_i32_0 = arith.constant 0 : i32
    %c0_i32_1 = arith.constant 0 : i32
    return %arg0, %c0_i32, %c0_i32_0 : i32, i32, i32
  }
  func.func @transform_1(%arg0: i32, %arg1: i32) -> (i32, i32, i32) {
    %mul3A = arith.constant 8 : i32
    %mul3A_0 = arith.muli %arg0, %mul3A : i32
    %add3A = arith.addi %mul3A_0, %arg1 : i32
    %c0_i32 = arith.constant 0 : i32
    %c0_i32_1 = arith.constant 0 : i32
    %c0_i32_2 = arith.constant 0 : i32
    return %add3A, %c0_i32, %c0_i32_1 : i32, i32, i32
  }
  func.func @transform_2(%arg0: i32, %arg1: i32) -> (i32, i32) {
    %c0_i32 = arith.constant 0 : i32
    %c0_i32_0 = arith.constant 0 : i32
    %c0_i32_1 = arith.constant 0 : i32
    return %c0_i32, %c0_i32_0 : i32, i32
  }
  func.func @transform_3(%arg0: i32, %arg1: i32) -> (i32, i32) {
    %c0_i32 = arith.constant 0 : i32
    %c0_i32_0 = arith.constant 0 : i32
    %c0_i32_1 = arith.constant 0 : i32
    return %c0_i32, %c0_i32_0 : i32, i32
  }
  func.func @transform_4(%arg0: i32, %arg1: i32) -> (i32, i32) {
    %c0_i32 = arith.constant 0 : i32
    %c0_i32_0 = arith.constant 0 : i32
    %c0_i32_1 = arith.constant 0 : i32
    return %c0_i32, %c0_i32_0 : i32, i32
  }
  func.func @transform_5(%arg0: i32, %arg1: i32) -> (i32, i32) {
    %c0_i32 = arith.constant 0 : i32
    %c0_i32_0 = arith.constant 0 : i32
    %c0_i32_1 = arith.constant 0 : i32
    return %c0_i32, %c0_i32_0 : i32, i32
  }
  func.func @transform_6(%arg0: i32, %arg1: i32) -> (i32, i32) {
    %c0_i32 = arith.constant 0 : i32
    %c0_i32_0 = arith.constant 0 : i32
    %c0_i32_1 = arith.constant 0 : i32
    return %c0_i32, %c0_i32_0 : i32, i32
  }
  func.func @transform_7(%arg0: i32, %arg1: i32) -> (i32, i32) {
    %c0_i32 = arith.constant 0 : i32
    %c0_i32_0 = arith.constant 0 : i32
    %c0_i32_1 = arith.constant 0 : i32
    return %c0_i32, %c0_i32_0 : i32, i32
  }
  func.func @transform_8(%arg0: i32, %arg1: i32) -> (i32, i32) {
    %c0_i32 = arith.constant 0 : i32
    %c0_i32_0 = arith.constant 0 : i32
    %c0_i32_1 = arith.constant 0 : i32
    return %c0_i32, %c0_i32_0 : i32, i32
  }
  func.func @transform_9(%arg0: i32, %arg1: i32) -> (i32, i32) {
    %c0_i32 = arith.constant 0 : i32
    %c0_i32_0 = arith.constant 0 : i32
    %c0_i32_1 = arith.constant 0 : i32
    return %c0_i32, %c0_i32_0 : i32, i32
  }
  func.func @transform_10(%arg0: i32, %arg1: i32) -> (i32, i32, i32) {
    %c0_i32 = arith.constant 0 : i32
    %c0_i32_0 = arith.constant 0 : i32
    return %arg0, %arg1, %c0_i32 : i32, i32, i32
  }
}

</mosaic_0001>

<sc_bundles>
// kernel: kernel.4.cloned.1.call-start
scs
__scs_entry_jumppad:
0x0: {  	(pc) =	sbr.rel $0x88, $3  }
0x1: {  	(tag) =	ssettag $0x0;
	lr =	simm.s32 $0x1  }
0x2: {  	[smem:$0x3F98] =	sst lr;
	_ =	strace $0xD0000000  }
0x3: {  	_ = 	snop  }
0x4: {  	_ = 	snop  }
0x5: {  	_ = 	snop  }
0x6: {  	_ = 	snop  }
0x7: {  	_ = 	snop  }
__scs_overlays_trampoline_lowered:
0x8: {  	[smem:$0x3FA7] =	sst s0  }
0x9: {  	[smem:$0x3FA8] =	sst s1  }
0xa: {  	[smem:$0x3FA9] =	sst s2  }
0xb: {  	[smem:$0x3FAA] =	sst s3  }
0xc: {  	[smem:$0x3FAB] =	sst s4  }
0xd: {  	[smem:$0x3FAC] =	sst s5  }
0xe: {  	[smem:$0x3FAD] =	sst s6  }
0xf: {  	[smem:$0x3FAE] =	sst s7  }
0x10: {  	[smem:$0x3FAF] =	sst s8  }
0x11: {  	[smem:$0x3FB0] =	sst s9;
	s0 =	simm.s32 @!p0 $0x0  }
0x12: {  	s1 =	sld [smem:$0x3F96];
	s0 =	simm.s32 @p0 $0x1  }
0x13: {  	[smem:$0x3FB1] =	sst s0;
	s0 =	simm.s32 @!p1 $0x0  }
0x14: {  	s2 =	sld [smem:$0x3F95];
	s0 =	simm.s32 @p1 $0x1  }
0x15: {  	[smem:$0x3FB2] =	sst s0;
	s0 =	simm.s32 @!p2 $0x0  }
0x16: {  	s3 =	sld [smem:$0x3FDB];
	s0 =	simm.s32 @p2 $0x1  }
0x17: {  	s4 =	simm.s32 $0x1BF5;
	[smem:$0x3FB4] =	sst s0  }
0x18: {  	s0 =	sld [smem:$0x3F97];
	_ =	swait.ge [sflag:s4], $0x0  }
0x19: {  	s7 =	sld [smem:$0x3F98]  }
0x1a: {  	s8 =	sadd.s32 $0xFFFFE003, lr  }
0x1b: {  	s9 =	sadd.s32 $0xFFFFFEF7, lr;
	s5 =	simm.s32 $0xFFFFFFFF;
	p2 =	slt.u32 s8, $0xFFFFF086  }
0x1c: {  	p1 =	slt.u32 s9, $0xF7A;
	s5 =	simm.s32 @!p2 $0x0  }
0x1d: {  	s5 =	simm.s32 @p1 $0x1;
	p0 =	seq.s32 s7, s2  }
0x1e: {  	s7 =	smul.u32 @!p0 $0xF7A, s2;
	p2 =	seq.s32 @!p0 s5, $0x0  }
0x1f: {  	s9 =	smul.u32 $0xF7A, s1;
	s8 =	simm.s32 @!p0 $0x1BF5;
	p2 =	por !p2, p0  }
0x20: {  	[sflag:s8] =	ssyncset.s32 @!p0 $0xFFFFF086;
	s6 =	sadd.s32 @!p0 s3, s7;
	s7 =	simm.s32 @!p0 $0x108  }
0x21: {  	s3 =	sadd.s32 s3, s9;
	s6 =	sadd.s32 @!p0 $0x88, s6;
	s7 =	simm.s32 @p2 $0x1082  }
0x22: {  	[simem:s7], [sflag:s8] =	dma.local @!p0 [hbm:s6], $0xF7A  }
0x23: {  	s9 =	sor.u32 $0xD0000000, s2;
	s6 =	simm.s32 $0x108;
	_ =	swait.ge @!p0 [sflag:s8], $0x0  }
0x24: {  	s3 =	sadd.s32 $0x88, s3;
	s6 =	simm.s32 @!p1 $0x1082;
	[sflag:s4] =	ssyncset.s32 $0xFFFFF086  }
0x25: {  	[simem:s6], [sflag:s4] =	dma.local [hbm:s3], $0xF7A  }
0x26: {  	[smem:$0x3F98] =	sst s1;
	(tag) =	ssettag s2;
	_ =	strace s9  }
0x27: {  	s1 =	sld [smem:$0x3FA8]  }
0x28: {  	s2 =	sld [smem:$0x3FA9]  }
0x29: {  	s4 =	sld [smem:$0x3FAB]  }
0x2a: {  	p0 =	seq.s32 s5, $0x0;
	s5 =	sld [smem:$0x3FAC]  }
0x2b: {  	s6 =	sld [smem:$0x3FAD]  }
0x2c: {  	s7 =	sld [smem:$0x3FAE]  }
0x2d: {  	s3 =	simm.s32 $0x108;
	s8 =	sld [smem:$0x3FAF]  }
0x2e: {  	s3 =	simm.s32 @!p0 $0x1082;
	s9 =	sld [smem:$0x3FB0]  }
0x2f: {  	lr =	sadd.s32 s0, s3;
	s0 =	sld [smem:$0x3FA7]  }
0x30: {  	s3 =	sld [smem:$0x3FAA]  }
0x31: {  	[smem:$0x3FB3] =	sst s10  }
0x32: {  	s10 =	sld [smem:$0x3FB1];
	_ =	sdelay $0x3  }
0x33: {  	p0 =	seq.s32 s10, $0x1;
	s10 =	sld [smem:$0x3FB3];
	_ =	sdelay $0x3  }
0x34: {  	[smem:$0x3FB3] =	sst s10  }
0x35: {  	s10 =	sld [smem:$0x3FB2];
	_ =	sdelay $0x3  }
0x36: {  	p1 =	seq.s32 s10, $0x1;
	s10 =	sld [smem:$0x3FB3];
	_ =	sdelay $0x3  }
0x37: {  	[smem:$0x3FB3] =	sst s10  }
0x38: {  	s10 =	sld [smem:$0x3FB4]  }
0x39: {  	_ = 	snop;
	(pc) =	sbr.ind lr, $3  }
0x3a: {  	_ = 	snop  }
0x3b: {  	_ = 	snop  }
0x3c: {  	p2 =	seq.s32 s10, $0x1;
	s10 =	sld [smem:$0x3FB3]  }
0x3d: {  	_ =	shalt  }
0x3e: {  	_ =	shalt  }
0x3f: {  	_ =	shalt  }
0x40: {  	_ =	shalt  }
0x41: {  	_ =	shalt  }
0x42: {  	_ =	shalt  }
0x43: {  	_ =	shalt  }
0x44: {  	_ =	shalt  }
0x45: {  	_ =	shalt  }
0x46: {  	_ =	shalt  }
0x47: {  	_ =	shalt  }
0x48: {  	_ =	shalt  }
0x49: {  	_ =	shalt  }
0x4a: {  	_ =	shalt  }
0x4b: {  	_ =	shalt  }
0x4c: {  	_ =	shalt  }
0x4d: {  	_ =	shalt  }
0x4e: {  	_ =	shalt  }
0x4f: {  	_ =	shalt  }
0x50: {  	_ =	shalt  }
0x51: {  	_ =	shalt  }
0x52: {  	_ =	shalt  }
0x53: {  	_ =	shalt  }
0x54: {  	_ =	shalt  }
0x55: {  	_ =	shalt  }
0x56: {  	_ =	shalt  }
0x57: {  	_ =	shalt  }
0x58: {  	_ =	shalt  }
0x59: {  	_ =	shalt  }
0x5a: {  	_ =	shalt  }
0x5b: {  	_ =	shalt  }
0x5c: {  	_ =	shalt  }
0x5d: {  	_ =	shalt  }
0x5e: {  	_ =	shalt  }
0x5f: {  	_ =	shalt  }
0x60: {  	_ =	shalt  }
0x61: {  	_ =	shalt  }
0x62: {  	_ =	shalt  }
0x63: {  	_ =	shalt  }
0x64: {  	_ =	shalt  }
0x65: {  	_ =	shalt  }
0x66: {  	_ =	shalt  }
0x67: {  	_ =	shalt  }
0x68: {  	_ =	shalt  }
0x69: {  	_ =	shalt  }
0x6a: {  	_ =	shalt  }
0x6b: {  	_ =	shalt  }
0x6c: {  	_ =	shalt  }
0x6d: {  	_ =	shalt  }
0x6e: {  	_ =	shalt  }
0x6f: {  	_ =	shalt  }
0x70: {  	_ =	shalt  }
0x71: {  	_ =	shalt  }
0x72: {  	_ =	shalt  }
0x73: {  	_ =	shalt  }
0x74: {  	_ =	shalt  }
0x75: {  	_ =	shalt  }
0x76: {  	_ =	shalt  }
0x77: {  	_ =	shalt  }
0x78: {  	_ =	shalt  }
0x79: {  	_ =	shalt  }
0x7a: {  	_ =	shalt  }
0x7b: {  	_ =	shalt  }
0x7c: {  	_ =	shalt  }
0x7d: {  	_ =	shalt  }
0x7e: {  	_ =	shalt  }
0x7f: {  	_ =	shalt  }
0x80: {  	_ =	shalt  }
0x81: {  	_ =	shalt  }
0x82: {  	_ =	shalt  }
0x83: {  	_ =	shalt  }
0x84: {  	_ =	shalt  }
0x85: {  	_ =	shalt  }
0x86: {  	_ =	shalt  }
0x87: {  	_ =	shalt  }
.Lfunc_end0:
.L_simem_size_0:
called_computation_lowered:
.L_overlay_start_0:
0x88: {  	s2 =	sld [smem:$0x3FD9]  }
0x89: {  	s3 =	sld [smem:$0x3FFE];
	_ =	sdelay $0x1  }
0x8a: {  	s1 =	srdreg.scid  }
0x8b: {  	s0 =	sand.u32 $0x1, s1  }
0x8c: {  	s15 =	sshll.u32 s0, $0xA;
	s2 =	sadd.s32 s3, s2  }
0x8d: {  	s2 =	sadd.s32 s2, s15  }
0x8e: {  	[smem:$0x3FBF] =	sst s2  }
0x8f: {  	_ = 	snop  }
0x90: {  	s2 =	sld [smem:$0x3FD0];
	_ =	sdelay $0x2  }
0x91: {  	s4 =	simm.s32 $0xA;
	s5 =	simm.s32 $0x10;
	s16 =	sld [smem:$0x3FC1]  }
0x92: {  	[smem:s5], [sflag:s4] =	dma.local [hbm:s2], $0x1  }
0x93: {  	_ =	swait.eq [sflag:s4], $0x1  }
0x94: {  	[sflag:s4] =	ssyncset.done $0x0  }
0x95: {  	[sflag:s4] =	ssyncadd.s32 $0xFFFFFFFF  }
0x96: {  	s17 =	sld [smem:$0x11];
	(tm) =	ssettm $0x1  }
0x97: {  	s18 =	sld [smem:$0x3FFB];
	_ =	sdelay $0x3  }
0x98: {  	_ =	strace s18  }
0x99: {  	s4 =	sld [smem:$0x3FFC];
	_ =	sdelay $0x3  }
0x9a: {  	_ =	strace s4  }
0x9b: {  	s4 =	sld [smem:$0x3FFD];
	_ =	sdelay $0x3  }
0x9c: {  	_ =	strace s4  }
0x9d: {  	_ =	strace $0x8FFFFFFF  }
0x9e: {  	s19 =	sld [smem:$0x3FDB];
	_ =	sdelay $0x1  }
0x9f: {  	s20 =	simm.s32 $_scs_section_size  }
0xa0: {  	s6 =	simm.s32 $_size__tile_overlayer_lowered;
	s7 =	simm.s32 $_tile_overlayer_lowered  }
0xa1: {  	s23 =	simm.s32 $0x1BFF;
	s22 =	sshll.u32 s7, $0x1;
	s4 =	sadd.s32 s20, s19  }
0xa2: {  	s8 =	simm.s32 $0x0;
	s21 =	sshll.u32 s6, $0x1;
	s6 =	sadd.s32 s22, s4  }
0xa3: {  	[timem:s8], [sflag:s23] =	dma.local [hbm:s6], s21  }
0xa4: {  	_ =	swait.ge [sflag:s23], s21  }
0xa5: {  	s5 =	ssub.s32 $0x0, s21;
	[sflag:s23] =	ssyncset.done $0x0  }
0xa6: {  	[sflag:s23] =	ssyncadd.s32 s5;
	_ =	sdelay $0x1  }
0xa7: {  	s24 =	simm.s32 $0x1B8B  }
0xa8: {  	_ =	swait.ge [sflag:s24], $0x1  }
0xa9: {  	[sflag:s24] =	ssyncset.done $0x0  }
0xaa: {  	s25 =	simm.s32 $0x1B8E;
	[sflag:s24] =	ssyncadd.s32 $0xFFFFFFFF  }
0xab: {  	s26 =	simm.s32 $execute0_lowered;
	[smem:$0x3FD2] =	sst s25  }
0xac: {  	s5 =	sshll.u32 s26, $0x1;
	_ =	strace $0x80000046;
	[dreg:$0x1] =	wrdreg $0xFFFFFFFF  }
0xad: {  	s28 =	simm.s32 $_size_execute0_lowered;
	s4 =	sadd.s32 s4, s5;
	[dreg:$0x0] =	wrdreg $0x0  }
0xae: {  	s5 =	sshll.u32 s28, $0x1;
	[dreg:$0x2] =	wrdreg s4  }
0xaf: {  	[dreg:$0x3] =	wrdreg s5  }
0xb0: {  	[dreg:$0x4] =	wrdreg $0xC0  }
0xb1: {  	_ =	task [dreg:s8], $0x5FFFF  }
0xb2: {  	[dreg:$0x1] =	wrdreg $0xFFFFFFFF  }
0xb3: {  	[dreg:$0x0] =	wrdreg $0x60  }
0xb4: {  	[dreg:$0x2] =	wrdreg s16  }
0xb5: {  	[dreg:$0x3] =	wrdreg s17  }
0xb6: {  	[dreg:$0x4] =	wrdreg $0x9  }
0xb7: {  	_ =	task.clear_ibuf [dreg:s8], $0x5FFFF;
	_ =	strace $0x90000046  }
0xb8: {  	s29 =	simm.s32 $0x9;
	_ =	strace $0x80000048  }
0xb9: {  	_ =	swait.ge [sflag:s29], $0x1  }
0xba: {  	[sflag:s29] =	ssyncadd.s32 $0xFFFFFFFF  }
0xbb: {  	_ =	strace $0x90000048  }
0xbc: {  	_ =	sfence  }
0xbd: {  	s30 =	sld [smem:$0x0];
	_ =	sdelay $0x2  }
0xbe: {  	s31 =	sshll.u32 s1, $0xD;
	s1 =	sshrl.u32 s1, $0x2  }
0xbf: {  	s3 =	sand.u32 $0x4000, s31;
	s1 =	sadd.s32 s1, s30  }
0xc0: {  	s0 =	sor.u32 s3, s0;
	s1 =	sshll.u32 s1, $0x11  }
0xc1: {  	s0 =	sor.u32 s1, s0  }
0xc2: {  	s0 =	sadd.s32 $0x8F2B, s0  }
0xc3: {  	[sflag:s0] =	ssyncadd.remote.s32 $0x1  }
0xc4: {  	_ =	sfence.sel $0xFFFF  }
0xc5: {  	[dreg:$0x0] =	wrdreg $0xFFFFFFFF;
	(pc) =	sbr.abs _section_cstart, $3  }
0xc6: {  	[dreg:$0x1] =	wrdreg $0xFFFFFFFF  }
0xc7: {  	_ =	task.clear_ibuf [dreg:s8], $0x2FFFF;
	_ =	strace $0x9FFFFFFF  }
0xc8: {  	(tm) =	ssettm $0x7FFFFFFF  }
0xc9: {  	_ =	shalt  }
tec
execute0_lowered:
.L_overlay_start_1:
0x0: {  	(tag) =	ssettag $0x1  }
0x1: {  	s0 =	rddreg [dreg:$0x0]  }
0x2: {  	s3 =	rddreg [dreg:$0x1];
	s2 =	simm.s32 $0x0;
	s4 =	srdreg.scid  }
0x3: {  	s1 =	stileid.u32;
	s21 =	simm.s32 $0x80;
	s22 =	simm.s32 $0x400  }
0x4: {  	s23 =	simm.s32 $0x2;
	s24 =	simm.s32 $0x100;
	s25 =	simm.s32 $0x1  }
0x5: {  	[smem:$0x7FF] =	sst s2;
	s4 =	sand.u32 $0x1, s4;
	s5 =	sshll.u32 s1, $0x1  }
0x6: {  	s26 =	simm.s32 $0x0;
	_ =	strace $0x80000047;
	s5 =	sor.u32 s4, s5  }
0x7: {  	s4 =	ssub.s32 $0x2, s4;
	s6 =	sshll.u32 s5, $0x4;
	s5 =	sshll.u32 s5, $0x10  }
0x8: {  	s7 =	sshrl.u32 s4, $0x1;
	s6 =	sand.u32 $0x70, s6;
	s3 =	sadd.s32 s3, s5  }
0x9: {  	s20 =	ssub.s32 s4, s7;
	s4 =	sadd.s32 s0, s6;
	s5 =	sadd.s32 $0x1000, s3  }
0xa: {  	s6 =	sadd.s32 $0x2000, s3;
	s7 =	sadd.s32 $0x3000, s3;
	s8 =	sadd.s32 $0x4000, s3  }
0xb: {  	s9 =	sadd.s32 $0x5000, s3;
	s10 =	sadd.s32 $0x6000, s3;
	s11 =	sadd.s32 $0x7000, s3  }
0xc: {  	s12 =	sadd.s32 $0x8000, s3;
	s13 =	sadd.s32 $0x9000, s3;
	s14 =	sadd.s32 $0xA000, s3  }
0xd: {  	s15 =	sadd.s32 $0xB000, s3;
	s16 =	sadd.s32 $0xC000, s3;
	s17 =	sadd.s32 $0xD000, s3  }
0xe: {  	s18 =	sadd.s32 $0xE000, s3;
	s19 =	sadd.s32 $0xF000, s3;
	s20 =	smax.u32 s20, $0x1  }
.LBB2_1:
0xf: {  	[tilespmem:s2], [sflag:$0x2] =	stream.strided.gather [hbm4b:s4+s21], $0x100, s22, s21, $0x38;
	[tilespmem:$0x8100] =	vst v63  }
0x10: {  	_ =	swait.ge [sflag:s23], $0x100  }
0x11: {  	[sflag:s23] =	ssyncset.done $0x0  }
0x12: {  	[sflag:s23] =	ssyncadd.s32 $0xFFFFFF00  }
0x13: {  	v0 =	vld [tilespmem:$0x0]  }
0x14: {  	v1 =	vld [tilespmem:$0x10]  }
0x15: {  	v2 =	vld [tilespmem:$0x20]  }
0x16: {  	v3 =	vld [tilespmem:$0x30]  }
0x17: {  	v4 =	vld [tilespmem:$0x40]  }
0x18: {  	v5 =	vld [tilespmem:$0x50]  }
0x19: {  	v6 =	vld [tilespmem:$0x60]  }
0x1a: {  	v7 =	vld [tilespmem:$0x70]  }
0x1b: {  	v8 =	vld [tilespmem:$0x80]  }
0x1c: {  	v9 =	vld [tilespmem:$0x90]  }
0x1d: {  	v15 =	vld [tilespmem:$0xF0]  }
0x1e: {  	v10 =	vld [tilespmem:$0xA0]  }
0x1f: {  	v11 =	vld [tilespmem:$0xB0]  }
0x20: {  	s0 =	sand.u32 $0x7800, s2;
	s28 =	sand.u32 $0x380, s2;
	v12 =	vld [tilespmem:$0xC0]  }
0x21: {  	s28 =	sor.u32 s28, s0;
	v13 =	vld [tilespmem:$0xD0]  }
0x22: {  	v14 =	vld [tilespmem:$0xE0];
	[tilespmem:s28+$0x570] =	vst v15  }
0x23: {  	[tilespmem:s28+$0x100] =	vst v0  }
0x24: {  	[tilespmem:s28+$0x110] =	vst v1  }
0x25: {  	[tilespmem:s28+$0x120] =	vst v2  }
0x26: {  	[tilespmem:s28+$0x130] =	vst v3  }
0x27: {  	[tilespmem:s28+$0x140] =	vst v4  }
0x28: {  	[tilespmem:s28+$0x150] =	vst v5  }
0x29: {  	[tilespmem:s28+$0x160] =	vst v6  }
0x2a: {  	[tilespmem:s28+$0x170] =	vst v7  }
0x2b: {  	[tilespmem:s28+$0x500] =	vst v8  }
0x2c: {  	[tilespmem:s28+$0x510] =	vst v9  }
0x2d: {  	[tilespmem:s28+$0x520] =	vst v10  }
0x2e: {  	[tilespmem:s28+$0x530] =	vst v11  }
0x2f: {  	s29 =	simm.s32 $0x80;
	s0 =	simm.s32 $0x100;
	[tilespmem:s28+$0x540] =	vst v12  }
0x30: {  	s30 =	simm.s32 $0x200;
	s31 =	sand.u32 $0x7800, s0;
	s0 =	sand.u32 $0x380, s29;
	[tilespmem:s28+$0x550] =	vst v13  }
.LBB2_2:
0x31: {  	p0 =	sne.s32 s30, $0x7F00;
	[tilespmem:s28+$0x560] =	vst v14;
	s28 =	sor.u32 s0, s31  }
0x32: {  	[tilespmem:s28+$0x570] =	vst v15  }
0x33: {  	[tilespmem:s28+$0x100] =	vst v0  }
0x34: {  	[tilespmem:s28+$0x110] =	vst v1  }
0x35: {  	[tilespmem:s28+$0x120] =	vst v2  }
0x36: {  	[tilespmem:s28+$0x130] =	vst v3  }
0x37: {  	[tilespmem:s28+$0x140] =	vst v4  }
0x38: {  	[tilespmem:s28+$0x150] =	vst v5  }
0x39: {  	[tilespmem:s28+$0x160] =	vst v6  }
0x3a: {  	[tilespmem:s28+$0x170] =	vst v7  }
0x3b: {  	[tilespmem:s28+$0x500] =	vst v8  }
.Ltmp0:
0x3c: {  	[tilespmem:s28+$0x510] =	vst v9;
	(pc) =	sbr.rel @p0 .LBB2_2-.Ltmp0, $4  }
0x3d: {  	[tilespmem:s28+$0x520] =	vst v10  }
0x3e: {  	[tilespmem:s28+$0x530] =	vst v11  }
0x3f: {  	s29 =	sadd.s32 $0x80, s29;
	[tilespmem:s28+$0x540] =	vst v12  }
0x40: {  	s31 =	sand.u32 $0x7800, s30;
	s30 =	sadd.s32 $0x100, s30;
	s0 =	sand.u32 $0x380, s29;
	[tilespmem:s28+$0x550] =	vst v13  }
0x41: {  	s0 =	sor.u32 s0, s31;
	[tilespmem:s28+$0x560] =	vst v14  }
0x42: {  	[tilespmem:s0+$0x570] =	vst v15  }
0x43: {  	[tilespmem:s0+$0x100] =	vst v0  }
0x44: {  	[tilespmem:s0+$0x110] =	vst v1  }
0x45: {  	[tilespmem:s0+$0x120] =	vst v2  }
0x46: {  	[tilespmem:s0+$0x130] =	vst v3  }
0x47: {  	[tilespmem:s0+$0x140] =	vst v4  }
0x48: {  	[tilespmem:s0+$0x150] =	vst v5  }
0x49: {  	[tilespmem:s0+$0x160] =	vst v6  }
0x4a: {  	[tilespmem:s0+$0x170] =	vst v7  }
0x4b: {  	[tilespmem:s0+$0x500] =	vst v8  }
0x4c: {  	[tilespmem:s0+$0x510] =	vst v9  }
0x4d: {  	[tilespmem:s0+$0x520] =	vst v10  }
0x4e: {  	[tilespmem:s0+$0x530] =	vst v11  }
0x4f: {  	[tilespmem:s0+$0x540] =	vst v12  }
0x50: {  	[tilespmem:s0+$0x550] =	vst v13  }
0x51: {  	[tilespmem:s0+$0x560] =	vst v14  }
0x52: {  	[hbm4b:s3+s2] =	stream.linear.scatter [tilespmem:s24], [sflag:$0x1], $0x8000, $0x38;
	[tilespmem:$0x8100] =	vst v63  }
0x53: {  	_ = 	snop  }
0x54: {  	[hbm4b:s5+s2] =	stream.linear.scatter [tilespmem:s24], [sflag:$0x1], $0x8000, $0x38;
	[tilespmem:$0x8100] =	vst v63  }
0x55: {  	_ = 	snop  }
0x56: {  	[hbm4b:s6+s2] =	stream.linear.scatter [tilespmem:s24], [sflag:$0x1], $0x8000, $0x38;
	[tilespmem:$0x8100] =	vst v63  }
0x57: {  	_ = 	snop  }
0x58: {  	[hbm4b:s7+s2] =	stream.linear.scatter [tilespmem:s24], [sflag:$0x1], $0x8000, $0x38;
	[tilespmem:$0x8100] =	vst v63  }
0x59: {  	_ = 	snop  }
0x5a: {  	[hbm4b:s8+s2] =	stream.linear.scatter [tilespmem:s24], [sflag:$0x1], $0x8000, $0x38;
	[tilespmem:$0x8100] =	vst v63  }
0x5b: {  	_ = 	snop  }
0x5c: {  	[hbm4b:s9+s2] =	stream.linear.scatter [tilespmem:s24], [sflag:$0x1], $0x8000, $0x38;
	[tilespmem:$0x8100] =	vst v63  }
0x5d: {  	_ = 	snop  }
0x5e: {  	[hbm4b:s10+s2] =	stream.linear.scatter [tilespmem:s24], [sflag:$0x1], $0x8000, $0x38;
	[tilespmem:$0x8100] =	vst v63  }
0x5f: {  	_ = 	snop  }
0x60: {  	[hbm4b:s11+s2] =	stream.linear.scatter [tilespmem:s24], [sflag:$0x1], $0x8000, $0x38;
	[tilespmem:$0x8100] =	vst v63  }
0x61: {  	_ = 	snop  }
0x62: {  	[hbm4b:s12+s2] =	stream.linear.scatter [tilespmem:s24], [sflag:$0x1], $0x8000, $0x38;
	[tilespmem:$0x8100] =	vst v63  }
0x63: {  	_ = 	snop  }
0x64: {  	[hbm4b:s13+s2] =	stream.linear.scatter [tilespmem:s24], [sflag:$0x1], $0x8000, $0x38;
	[tilespmem:$0x8100] =	vst v63  }
0x65: {  	_ = 	snop  }
0x66: {  	[hbm4b:s14+s2] =	stream.linear.scatter [tilespmem:s24], [sflag:$0x1], $0x8000, $0x38;
	[tilespmem:$0x8100] =	vst v63  }
0x67: {  	_ = 	snop  }
0x68: {  	[hbm4b:s15+s2] =	stream.linear.scatter [tilespmem:s24], [sflag:$0x1], $0x8000, $0x38;
	[tilespmem:$0x8100] =	vst v63  }
0x69: {  	_ = 	snop  }
0x6a: {  	[hbm4b:s16+s2] =	stream.linear.scatter [tilespmem:s24], [sflag:$0x1], $0x8000, $0x38;
	[tilespmem:$0x8100] =	vst v63  }
0x6b: {  	_ = 	snop  }
0x6c: {  	[hbm4b:s17+s2] =	stream.linear.scatter [tilespmem:s24], [sflag:$0x1], $0x8000, $0x38;
	[tilespmem:$0x8100] =	vst v63  }
0x6d: {  	_ = 	snop  }
0x6e: {  	[hbm4b:s18+s2] =	stream.linear.scatter [tilespmem:s24], [sflag:$0x1], $0x8000, $0x38;
	[tilespmem:$0x8100] =	vst v63  }
0x6f: {  	_ = 	snop  }
0x70: {  	[hbm4b:s19+s2] =	stream.linear.scatter [tilespmem:s24], [sflag:$0x1], $0x8000, $0x38;
	[tilespmem:$0x8100] =	vst v63  }
0x71: {  	_ =	swait.ge [sflag:s25], $0x8000  }
0x72: {  	[sflag:s25] =	ssyncset.done $0x0  }
0x73: {  	[sflag:s25] =	ssyncadd.s32 $0xFFFF8000  }
0x74: {  	_ =	swait.ge [sflag:s25], $0x8000  }
0x75: {  	[sflag:s25] =	ssyncset.done $0x0  }
0x76: {  	[sflag:s25] =	ssyncadd.s32 $0xFFFF8000  }
0x77: {  	_ =	swait.ge [sflag:s25], $0x8000  }
0x78: {  	[sflag:s25] =	ssyncset.done $0x0  }
0x79: {  	[sflag:s25] =	ssyncadd.s32 $0xFFFF8000  }
0x7a: {  	_ =	swait.ge [sflag:s25], $0x8000  }
0x7b: {  	[sflag:s25] =	ssyncset.done $0x0  }
0x7c: {  	[sflag:s25] =	ssyncadd.s32 $0xFFFF8000  }
0x7d: {  	_ =	swait.ge [sflag:s25], $0x8000  }
0x7e: {  	[sflag:s25] =	ssyncset.done $0x0  }
0x7f: {  	[sflag:s25] =	ssyncadd.s32 $0xFFFF8000  }
0x80: {  	_ =	swait.ge [sflag:s25], $0x8000  }
0x81: {  	[sflag:s25] =	ssyncset.done $0x0  }
0x82: {  	[sflag:s25] =	ssyncadd.s32 $0xFFFF8000  }
0x83: {  	_ =	swait.ge [sflag:s25], $0x8000  }
0x84: {  	[sflag:s25] =	ssyncset.done $0x0  }
0x85: {  	[sflag:s25] =	ssyncadd.s32 $0xFFFF8000  }
0x86: {  	_ =	swait.ge [sflag:s25], $0x8000  }
0x87: {  	[sflag:s25] =	ssyncset.done $0x0  }
0x88: {  	[sflag:s25] =	ssyncadd.s32 $0xFFFF8000  }
0x89: {  	_ =	swait.ge [sflag:s25], $0x8000  }
0x8a: {  	[sflag:s25] =	ssyncset.done $0x0  }
0x8b: {  	[sflag:s25] =	ssyncadd.s32 $0xFFFF8000  }
0x8c: {  	_ =	swait.ge [sflag:s25], $0x8000  }
0x8d: {  	[sflag:s25] =	ssyncset.done $0x0  }
0x8e: {  	[sflag:s25] =	ssyncadd.s32 $0xFFFF8000  }
0x8f: {  	_ =	swait.ge [sflag:s25], $0x8000  }
0x90: {  	[sflag:s25] =	ssyncset.done $0x0  }
0x91: {  	[sflag:s25] =	ssyncadd.s32 $0xFFFF8000  }
0x92: {  	_ =	swait.ge [sflag:s25], $0x8000  }
0x93: {  	[sflag:s25] =	ssyncset.done $0x0  }
0x94: {  	[sflag:s25] =	ssyncadd.s32 $0xFFFF8000  }
0x95: {  	_ =	swait.ge [sflag:s25], $0x8000  }
0x96: {  	[sflag:s25] =	ssyncset.done $0x0  }
0x97: {  	[sflag:s25] =	ssyncadd.s32 $0xFFFF8000  }
0x98: {  	_ =	swait.ge [sflag:s25], $0x8000  }
0x99: {  	[sflag:s25] =	ssyncset.done $0x0  }
0x9a: {  	s26 =	sadd.s32 $0x1, s26;
	[sflag:s25] =	ssyncadd.s32 $0xFFFF8000  }
0x9b: {  	p0 =	sne.s32 s26, s20;
	_ =	swait.ge [sflag:s25], $0x8000  }
.Ltmp1:
0x9c: {  	[sflag:s25] =	ssyncset.done $0x0;
	(pc) =	sbr.rel @p0 .LBB2_1-.Ltmp1, $4  }
0x9d: {  	[sflag:s25] =	ssyncadd.s32 $0xFFFF8000  }
0x9e: {  	_ =	swait.ge [sflag:s25], $0x8000  }
0x9f: {  	[sflag:s25] =	ssyncset.done $0x0  }
0xa0: {  	[sflag:s25] =	ssyncadd.s32 $0xFFFF8000  }
0xa1: {  	_ =	sfence.sel $0x180000  }
0xa2: {  	[bflag:$0x0] =	sbarrier.arrive $0xFFFF  }
0xa3: {  	_ =	strace $0x90000047  }
0xa4: {  	[bflag:$0x2] =	sbarrier.arrive $0xFFFF  }
0xa5: {  	p0 =	sne.s32 s1, $0x0;
	s0 =	rddreg [dreg:$0x2]  }
0xa6: {  	s0 =	sadd.s32 @!p0 $0x100000, s0  }
0xa7: {  	[sflag:s0] =	ssyncadd.tile.s32 @!p0 $0x1;
	_ =	shalt  }
.Lfunc_end2:
_tile_overlayer_lowered:
.L_overlay_start_2:
0xa8: {  	(tag) =	ssettag $0x2  }
0xa9: {  	s0 =	rddreg [dreg:$0x0];
	s2 =	stileid.u32  }
0xaa: {  	s1 =	rddreg [dreg:$0x1];
	p0 =	sne.s32 s2, $0x0  }
0xab: {  	s3 =	rddreg [dreg:$0x2];
	[bflag:$0x3] =	sbarrier.arrive $0xFFFF;
	s2 =	simm.s32 @!p0 $0x1C02  }
0xac: {  	[timem:s3], [sflag:s2] =	dma.local @!p0 [hbm:s0], s1  }
0xad: {  	s0 =	simm.s32 @!p0 $0x2  }
0xae: {  	_ =	swait.ge @!p0 [sflag:s0], s1  }
0xaf: {  	s1 =	ssub.s32 @!p0 $0x0, s1;
	[sflag:s0] =	ssyncset.done @!p0 $0x0  }
0xb0: {  	[sflag:s0] =	ssyncadd.s32 @!p0 s1  }
0xb1: {  	[bflag:$0x3] =	sbarrier.arrive $0xFFFF  }
0xb2: {  	_ =	shalt  }

</sc_bundles>
